<compile_context>
chip_gen: v7x
topology: tpu7x:2x2x1
jax: 0.10.2.dev20260603
libtpu: 0.0.44.dev20260713+nightly
codegen_flags: <defaults>
</compile_context>

<pallas_src>
import jax
import jax.numpy as jnp
from jax import lax
from jax.experimental import pallas as pl
from jax.experimental.pallas import tpu as pltpu
from jax.experimental.pallas import tpu_sc as plsc

N = 100000
E = 6400000
NC = 2
NS = 16
L = 16
W = NC * NS
C = 1280
NW = E // C
FULL_T = NW // W
EXTRA_W = NW % W
D = 3
GROUPS = FULL_T // D
ACC_N = 102400
SLICE = ACC_N // NS
UNROLL = 8
_PIECES = [(q * C, C) for q in range(SLICE // C)]
ST_P = 5
ST_L = N // ST_P


def _sc_edge_pass(x, edge_index, edge_weight):
    mesh = plsc.VectorSubcoreMesh(core_axis_name="c", subcore_axis_name="s")

    @pl.kernel(
        out_type=jax.ShapeDtypeStruct((NC * ACC_N,), jnp.float32),
        mesh=mesh,
        compiler_params=pltpu.CompilerParams(needs_layout_passes=False),
        scratch_types=[
            pltpu.VMEM((N,), jnp.float32),
            [pltpu.VMEM((2, C), jnp.int32) for _ in range(D)],
            [pltpu.VMEM((C,), jnp.int32) for _ in range(D)],
            [pltpu.VMEM((C,), jnp.float32) for _ in range(D)],
            [pltpu.VMEM((C,), jnp.float32) for _ in range(D)],
            [pltpu.SemaphoreType.DMA for _ in range(D)],
            [pltpu.SemaphoreType.DMA for _ in range(D)],
            pltpu.VMEM_SHARED((ACC_N,), jnp.float32),
        ],
    )
    def edge_pass(x_hbm, ei_hbm, w_hbm, out_hbm,
                  state_v, e_v, dst_v, w_v, msg_v, sem_in, sem_sc, acc_sh):
        cid = lax.axis_index("c")
        sid = lax.axis_index("s")
        wid = sid * NC + cid

        def issue_in(b, t):
            off = (wid + W * t) * C
            return (
                pltpu.async_copy(ei_hbm.at[:, pl.ds(off, C)], e_v[b], sem_in[b]),
                pltpu.async_copy(w_hbm.at[pl.ds(off, C)], w_v[b], sem_in[b]),
            )

        def wait_in(b):
            pltpu.make_async_copy(ei_hbm.at[:, pl.ds(0, C)], e_v[b], sem_in[b]).wait()
            pltpu.make_async_copy(w_hbm.at[pl.ds(0, C)], w_v[b], sem_in[b]).wait()

        for b in range(D):
            issue_in(b, b)

        rot = lax.rem(wid, ST_P)
        for p in range(ST_P):
            o = lax.rem(jnp.int32(p) + rot, ST_P) * ST_L
            pltpu.sync_copy(x_hbm.at[pl.ds(o, ST_L)],
                            state_v.at[pl.ds(o, ST_L)])

        def zero_body(i, _):
            msg_v[0][pl.ds(i * L, L)] = jnp.zeros((L,), jnp.float32)
            return 0
        lax.fori_loop(0, C // L, zero_body, 0)
        for o, ln in _PIECES:
            pltpu.sync_copy(msg_v[0].at[pl.ds(0, ln)],
                            acc_sh.at[pl.ds(sid * SLICE + o, ln)])
        plsc.subcore_barrier()

        def compute(b):
            @plsc.parallel_loop(0, C, step=L, unroll=UNROLL)
            def gather_body(i):
                sl = pl.ds(i, L)
                vals = plsc.load_gather(state_v, [e_v[b][0, sl]])
                msg_v[b][sl] = w_v[b][sl] * vals
                dst_v[b][sl] = e_v[b][1, sl]

        def wait_sc(b):
            pltpu.make_async_copy(msg_v[b], acc_sh.at[dst_v[b]], sem_sc[b]).wait()

        def group_body(g, _):
            for b in range(D):
                wait_in(b)

                @pl.when(g > 0)
                def _():
                    wait_sc(b)
                compute(b)

                @pl.when(g + 1 < GROUPS)
                def _():
                    issue_in(b, (g + 1) * D + b)
                pltpu.async_copy(
                    msg_v[b], acc_sh.at[dst_v[b]], sem_sc[b], add=True)
            return 0
        lax.fori_loop(0, GROUPS, group_body, 0)
        for b in range(D):
            wait_sc(b)

        @pl.when(wid < EXTRA_W)
        def _():
            ins = issue_in(0, FULL_T)
            for d in ins:
                d.wait()
            compute(0)
            pltpu.async_copy(
                msg_v[0], acc_sh.at[dst_v[0]], sem_sc[0], add=True)
            wait_sc(0)

        plsc.subcore_barrier()
        for o, ln in _PIECES:
            pltpu.sync_copy(acc_sh.at[pl.ds(sid * SLICE + o, ln)],
                            msg_v[0].at[pl.ds(0, ln)])
            pltpu.sync_copy(msg_v[0].at[pl.ds(0, ln)],
                            out_hbm.at[pl.ds(cid * ACC_N + sid * SLICE + o, ln)])

    return edge_pass(x, edge_index, edge_weight)


def _tc_finish(x, partials):
    def finish(x_ref, p_ref, o_ref):
        p0 = p_ref[pl.ds(0, N)]
        p1 = p_ref[pl.ds(ACC_N, N)]
        o_ref[...] = jnp.tanh(x_ref[...] + p0 + p1)

    return pl.pallas_call(
        finish,
        out_shape=jax.ShapeDtypeStruct((N,), jnp.float32),
    )(x, partials)


def kernel(region_inputs_flat, edge_index, edge_weight):
    x = region_inputs_flat
    partials = _sc_edge_pass(x, edge_index.astype(jnp.int32), edge_weight)
    return _tc_finish(x, partials)

# --- scband reference (transcript-rebuilt; emitter-appended) ---
"""Pipeline reference for scband-brain-network-13288628814596 (READ-ONLY COPY).

The authoritative reference and input builder live on the scoring server;
editing this copy changes nothing except your own understanding.
"""

import jax, jax.numpy as jnp
import numpy as np

N_NEURONS = 100000
N_EDGES = 6400000


def setup_inputs(seed: int = 0) -> dict:
    key = jax.random.key(seed)
    k1, k2, k3 = jax.random.split(key, 3)
    # External observation injected into neurons (concatenation of all region
    # observation vectors; regions without observations receive zeros, here we
    # just draw a full random vector).
    region_inputs_flat = jax.random.normal(k1, (N_NEURONS,), dtype=jnp.float32)
    # All inter-region edges flattened: row 0 = src neuron global id,
    # row 1 = dst neuron global id.
    edge_index = jax.random.randint(k2, (2, N_EDGES), 0, N_NEURONS, dtype=jnp.int64)
    # Learnable scalar pathway weights, one per inter-region edge
    # (nn.Parameter per edge in the original; init small nonzero so gradients flow).
    edge_weight = jax.random.normal(k3, (N_EDGES,), dtype=jnp.float32) * 0.01
    return {
        "region_inputs_flat": region_inputs_flat,
        "edge_index": edge_index,
        "edge_weight": edge_weight,
    }


def reference(region_inputs_flat, edge_index, edge_weight):
    # One timestep of the brain network, with all regions flattened into a
    # single global neuron state vector.
    # 1. For every inter-region edge, read the source neuron's current
    #    activation (delay handled as current-step activation), scale by the
    #    learnable scalar edge weight.
    src = edge_index[0]
    dst = edge_index[1]
    msgs = edge_weight * jnp.take(region_inputs_flat, src, axis=0)  # gather
    # 2. Pre-inject: scatter-add all incoming pathway currents onto the
    #    destination neurons.
    injected = jnp.zeros((N_NEURONS,), dtype=jnp.float32).at[dst].add(msgs)
    # 3. Each region's NeuronGraph consumes (external observation + injected
    #    pathway current) and produces new activations via its nonlinearity.
    h = jnp.tanh(region_inputs_flat + injected)
    # 4. Output = concatenated activations of all output regions
    #    (output_regions=None -> all regions -> full state vector).
    return h

if __name__ == "__main__":
    import jax
    _d = setup_inputs()
    print(jax.jit(kernel)(*tuple(_d.values())))

</pallas_src>

<mosaic_0001>
#map = affine_map<(d0, d1) -> (0)>
#map1 = affine_map<(d0, d1) -> (0, 0)>
module attributes {stable_mosaic.version = 14 : i64} {
  func.func @edge_pass(%arg0: i32, %arg1: i32, %arg2: memref<100000xf32, #tpu.memory_space<hbm>>, %arg3: memref<2x6400000xi32, #tpu.memory_space<hbm>>, %arg4: memref<6400000xf32, #tpu.memory_space<hbm>>, %arg5: memref<204800xf32, #tpu.memory_space<hbm>>, %arg6: memref<100000xf32, #tpu.memory_space<vmem>>, %arg7: memref<2x1280xi32, #tpu.memory_space<vmem>>, %arg8: memref<2x1280xi32, #tpu.memory_space<vmem>>, %arg9: memref<2x1280xi32, #tpu.memory_space<vmem>>, %arg10: memref<1280xi32, #tpu.memory_space<vmem>>, %arg11: memref<1280xi32, #tpu.memory_space<vmem>>, %arg12: memref<1280xi32, #tpu.memory_space<vmem>>, %arg13: memref<1280xf32, #tpu.memory_space<vmem>>, %arg14: memref<1280xf32, #tpu.memory_space<vmem>>, %arg15: memref<1280xf32, #tpu.memory_space<vmem>>, %arg16: memref<1280xf32, #tpu.memory_space<vmem>>, %arg17: memref<1280xf32, #tpu.memory_space<vmem>>, %arg18: memref<1280xf32, #tpu.memory_space<vmem>>, %arg19: memref<!tpu.dma_semaphore, #tpu.memory_space<semaphore_mem>>, %arg20: memref<!tpu.dma_semaphore, #tpu.memory_space<semaphore_mem>>, %arg21: memref<!tpu.dma_semaphore, #tpu.memory_space<semaphore_mem>>, %arg22: memref<!tpu.dma_semaphore, #tpu.memory_space<semaphore_mem>>, %arg23: memref<!tpu.dma_semaphore, #tpu.memory_space<semaphore_mem>>, %arg24: memref<!tpu.dma_semaphore, #tpu.memory_space<semaphore_mem>>, %arg25: memref<102400xf32, #tpu.memory_space<vmem_shared>>) attributes {dimension_semantics = [#tpu.dimension_semantics<core_parallel>, #tpu.dimension_semantics<subcore_parallel>], iteration_bounds = array<i64: 2, 16>, scalar_prefetch = 0 : i64, scratch_operands = 20 : i64, tpu.core_type = #tpu.core_type<sc_vector_subcore>, window_params = [{transform_indices = #map}, {transform_indices = #map1}, {transform_indices = #map}, {transform_indices = #map}]} {
    %mul3A = arith.constant 2 : i32
    %mul3A_0 = arith.muli %arg1, %mul3A : i32
    %add3A = arith.addi %mul3A_0, %arg0 : i32
    %add3A_1 = arith.constant 0 : i32
    %add3A_2 = arith.addi %add3A, %add3A_1 : i32
    %mul3A_3 = arith.constant 1280 : i32
    %mul3A_4 = arith.muli %add3A_2, %mul3A_3 : i32
    %dma_start3A = arith.constant 0 : i32
    %dma_start3A_5 = tpu.memref_slice %arg3[%dma_start3A, %mul3A_4] : memref<2x6400000xi32, #tpu.memory_space<hbm>> -> memref<2x1280xi32, #tpu.memory_space<hbm>>
    %dma_start3A_6 = arith.constant 0 : i32
    %dma_start3A_7 = tpu.memref_slice %arg3[%dma_start3A_6, %mul3A_4] : memref<2x6400000xi32, #tpu.memory_space<hbm>> -> memref<2x1280xi32, #tpu.memory_space<hbm>>
    tpu.enqueue_dma source(%dma_start3A_7 : memref<2x1280xi32, #tpu.memory_space<hbm>>) target(%arg7 : memref<2x1280xi32, #tpu.memory_space<vmem>>) target_semaphore(%arg19 : memref<!tpu.dma_semaphore, #tpu.memory_space<semaphore_mem>>)
    %dma_start3A_8 = tpu.memref_slice %arg4[%mul3A_4] : memref<6400000xf32, #tpu.memory_space<hbm>> -> memref<1280xf32, #tpu.memory_space<hbm>>
    %dma_start3A_9 = tpu.memref_slice %arg4[%mul3A_4] : memref<6400000xf32, #tpu.memory_space<hbm>> -> memref<1280xf32, #tpu.memory_space<hbm>>
    tpu.enqueue_dma source(%dma_start3A_9 : memref<1280xf32, #tpu.memory_space<hbm>>) target(%arg13 : memref<1280xf32, #tpu.memory_space<vmem>>) target_semaphore(%arg19 : memref<!tpu.dma_semaphore, #tpu.memory_space<semaphore_mem>>)
    %add3A_10 = arith.constant 32 : i32
    %add3A_11 = arith.addi %add3A, %add3A_10 : i32
    %mul3A_12 = arith.constant 1280 : i32
    %mul3A_13 = arith.muli %add3A_11, %mul3A_12 : i32
    %dma_start3A_14 = arith.constant 0 : i32
    %dma_start3A_15 = tpu.memref_slice %arg3[%dma_start3A_14, %mul3A_13] : memref<2x6400000xi32, #tpu.memory_space<hbm>> -> memref<2x1280xi32, #tpu.memory_space<hbm>>
    %dma_start3A_16 = arith.constant 0 : i32
    %dma_start3A_17 = tpu.memref_slice %arg3[%dma_start3A_16, %mul3A_13] : memref<2x6400000xi32, #tpu.memory_space<hbm>> -> memref<2x1280xi32, #tpu.memory_space<hbm>>
    tpu.enqueue_dma source(%dma_start3A_17 : memref<2x1280xi32, #tpu.memory_space<hbm>>) target(%arg8 : memref<2x1280xi32, #tpu.memory_space<vmem>>) target_semaphore(%arg20 : memref<!tpu.dma_semaphore, #tpu.memory_space<semaphore_mem>>)
    %dma_start3A_18 = tpu.memref_slice %arg4[%mul3A_13] : memref<6400000xf32, #tpu.memory_space<hbm>> -> memref<1280xf32, #tpu.memory_space<hbm>>
    %dma_start3A_19 = tpu.memref_slice %arg4[%mul3A_13] : memref<6400000xf32, #tpu.memory_space<hbm>> -> memref<1280xf32, #tpu.memory_space<hbm>>
    tpu.enqueue_dma source(%dma_start3A_19 : memref<1280xf32, #tpu.memory_space<hbm>>) target(%arg14 : memref<1280xf32, #tpu.memory_space<vmem>>) target_semaphore(%arg20 : memref<!tpu.dma_semaphore, #tpu.memory_space<semaphore_mem>>)
    %add3A_20 = arith.constant 64 : i32
    %add3A_21 = arith.addi %add3A, %add3A_20 : i32
    %mul3A_22 = arith.constant 1280 : i32
    %mul3A_23 = arith.muli %add3A_21, %mul3A_22 : i32
    %dma_start3A_24 = arith.constant 0 : i32
    %dma_start3A_25 = tpu.memref_slice %arg3[%dma_start3A_24, %mul3A_23] : memref<2x6400000xi32, #tpu.memory_space<hbm>> -> memref<2x1280xi32, #tpu.memory_space<hbm>>
    %dma_start3A_26 = arith.constant 0 : i32
    %dma_start3A_27 = tpu.memref_slice %arg3[%dma_start3A_26, %mul3A_23] : memref<2x6400000xi32, #tpu.memory_space<hbm>> -> memref<2x1280xi32, #tpu.memory_space<hbm>>
    tpu.enqueue_dma source(%dma_start3A_27 : memref<2x1280xi32, #tpu.memory_space<hbm>>) target(%arg9 : memref<2x1280xi32, #tpu.memory_space<vmem>>) target_semaphore(%arg21 : memref<!tpu.dma_semaphore, #tpu.memory_space<semaphore_mem>>)
    %dma_start3A_28 = tpu.memref_slice %arg4[%mul3A_23] : memref<6400000xf32, #tpu.memory_space<hbm>> -> memref<1280xf32, #tpu.memory_space<hbm>>
    %dma_start3A_29 = tpu.memref_slice %arg4[%mul3A_23] : memref<6400000xf32, #tpu.memory_space<hbm>> -> memref<1280xf32, #tpu.memory_space<hbm>>
    tpu.enqueue_dma source(%dma_start3A_29 : memref<1280xf32, #tpu.memory_space<hbm>>) target(%arg15 : memref<1280xf32, #tpu.memory_space<vmem>>) target_semaphore(%arg21 : memref<!tpu.dma_semaphore, #tpu.memory_space<semaphore_mem>>)
    %rem3A = arith.constant 5 : i32
    %rem3A_30 = arith.remsi %add3A, %rem3A : i32
    %add3A_31 = arith.constant 0 : i32
    %add3A_32 = arith.addi %add3A_31, %rem3A_30 : i32
    %rem3A_33 = arith.constant 5 : i32
    %rem3A_34 = arith.remsi %add3A_32, %rem3A_33 : i32
    %mul3A_35 = arith.constant 20000 : i32
    %mul3A_36 = arith.muli %rem3A_34, %mul3A_35 : i32
    "tpu.region"() ({
      %run_scoped3A = tpu.sem_alloc : memref<!tpu.dma_semaphore, #tpu.memory_space<semaphore_mem>>
      %dma_start3A_157 = tpu.memref_slice %arg6[%mul3A_36] : memref<100000xf32, #tpu.memory_space<vmem>> -> memref<20000xf32, #tpu.memory_space<vmem>>
      %dma_start3A_158 = tpu.memref_slice %arg2[%mul3A_36] : memref<100000xf32, #tpu.memory_space<hbm>> -> memref<20000xf32, #tpu.memory_space<hbm>>
      %dma_start3A_159 = tpu.memref_slice %arg6[%mul3A_36] : memref<100000xf32, #tpu.memory_space<vmem>> -> memref<20000xf32, #tpu.memory_space<vmem>>
      %dma_start3A_160 = tpu.memref_slice %arg2[%mul3A_36] : memref<100000xf32, #tpu.memory_space<hbm>> -> memref<20000xf32, #tpu.memory_space<hbm>>
      tpu.enqueue_dma source(%dma_start3A_160 : memref<20000xf32, #tpu.memory_space<hbm>>) target(%dma_start3A_159 : memref<20000xf32, #tpu.memory_space<vmem>>) target_semaphore(%run_scoped3A : memref<!tpu.dma_semaphore, #tpu.memory_space<semaphore_mem>>)
      %dma_wait3A_161 = tpu.memref_slice %arg6[%mul3A_36] : memref<100000xf32, #tpu.memory_space<vmem>> -> memref<20000xf32, #tpu.memory_space<vmem>>
      %dma_wait3A_162 = tpu.memref_slice %arg2[%mul3A_36] : memref<100000xf32, #tpu.memory_space<hbm>> -> memref<20000xf32, #tpu.memory_space<hbm>>
      %dma_wait3A_163 = tpu.memref_slice %arg6[%mul3A_36] : memref<100000xf32, #tpu.memory_space<vmem>> -> memref<20000xf32, #tpu.memory_space<vmem>>
      %dma_wait3A_164 = tpu.memref_slice %arg2[%mul3A_36] : memref<100000xf32, #tpu.memory_space<hbm>> -> memref<20000xf32, #tpu.memory_space<hbm>>
      tpu.wait_dma2 semaphore(%run_scoped3A : memref<!tpu.dma_semaphore, #tpu.memory_space<semaphore_mem>>) src(%dma_wait3A_164 : memref<20000xf32, #tpu.memory_space<hbm>>) dst(%dma_wait3A_163 : memref<20000xf32, #tpu.memory_space<vmem>>)
      tpu.yield
    }) : () -> ()
    %add3A_37 = arith.constant 1 : i32
    %add3A_38 = arith.addi %add3A_37, %rem3A_30 : i32
    %rem3A_39 = arith.constant 5 : i32
    %rem3A_40 = arith.remsi %add3A_38, %rem3A_39 : i32
    %mul3A_41 = arith.constant 20000 : i32
    %mul3A_42 = arith.muli %rem3A_40, %mul3A_41 : i32
    "tpu.region"() ({
      %run_scoped3A = tpu.sem_alloc : memref<!tpu.dma_semaphore, #tpu.memory_space<semaphore_mem>>
      %dma_start3A_157 = tpu.memref_slice %arg6[%mul3A_42] : memref<100000xf32, #tpu.memory_space<vmem>> -> memref<20000xf32, #tpu.memory_space<vmem>>
      %dma_start3A_158 = tpu.memref_slice %arg2[%mul3A_42] : memref<100000xf32, #tpu.memory_space<hbm>> -> memref<20000xf32, #tpu.memory_space<hbm>>
      %dma_start3A_159 = tpu.memref_slice %arg6[%mul3A_42] : memref<100000xf32, #tpu.memory_space<vmem>> -> memref<20000xf32, #tpu.memory_space<vmem>>
      %dma_start3A_160 = tpu.memref_slice %arg2[%mul3A_42] : memref<100000xf32, #tpu.memory_space<hbm>> -> memref<20000xf32, #tpu.memory_space<hbm>>
      tpu.enqueue_dma source(%dma_start3A_160 : memref<20000xf32, #tpu.memory_space<hbm>>) target(%dma_start3A_159 : memref<20000xf32, #tpu.memory_space<vmem>>) target_semaphore(%run_scoped3A : memref<!tpu.dma_semaphore, #tpu.memory_space<semaphore_mem>>)
      %dma_wait3A_161 = tpu.memref_slice %arg6[%mul3A_42] : memref<100000xf32, #tpu.memory_space<vmem>> -> memref<20000xf32, #tpu.memory_space<vmem>>
      %dma_wait3A_162 = tpu.memref_slice %arg2[%mul3A_42] : memref<100000xf32, #tpu.memory_space<hbm>> -> memref<20000xf32, #tpu.memory_space<hbm>>
      %dma_wait3A_163 = tpu.memref_slice %arg6[%mul3A_42] : memref<100000xf32, #tpu.memory_space<vmem>> -> memref<20000xf32, #tpu.memory_space<vmem>>
      %dma_wait3A_164 = tpu.memref_slice %arg2[%mul3A_42] : memref<100000xf32, #tpu.memory_space<hbm>> -> memref<20000xf32, #tpu.memory_space<hbm>>
      tpu.wait_dma2 semaphore(%run_scoped3A : memref<!tpu.dma_semaphore, #tpu.memory_space<semaphore_mem>>) src(%dma_wait3A_164 : memref<20000xf32, #tpu.memory_space<hbm>>) dst(%dma_wait3A_163 : memref<20000xf32, #tpu.memory_space<vmem>>)
      tpu.yield
    }) : () -> ()
    %add3A_43 = arith.constant 2 : i32
    %add3A_44 = arith.addi %add3A_43, %rem3A_30 : i32
    %rem3A_45 = arith.constant 5 : i32
    %rem3A_46 = arith.remsi %add3A_44, %rem3A_45 : i32
    %mul3A_47 = arith.constant 20000 : i32
    %mul3A_48 = arith.muli %rem3A_46, %mul3A_47 : i32
    "tpu.region"() ({
      %run_scoped3A = tpu.sem_alloc : memref<!tpu.dma_semaphore, #tpu.memory_space<semaphore_mem>>
      %dma_start3A_157 = tpu.memref_slice %arg6[%mul3A_48] : memref<100000xf32, #tpu.memory_space<vmem>> -> memref<20000xf32, #tpu.memory_space<vmem>>
      %dma_start3A_158 = tpu.memref_slice %arg2[%mul3A_48] : memref<100000xf32, #tpu.memory_space<hbm>> -> memref<20000xf32, #tpu.memory_space<hbm>>
      %dma_start3A_159 = tpu.memref_slice %arg6[%mul3A_48] : memref<100000xf32, #tpu.memory_space<vmem>> -> memref<20000xf32, #tpu.memory_space<vmem>>
      %dma_start3A_160 = tpu.memref_slice %arg2[%mul3A_48] : memref<100000xf32, #tpu.memory_space<hbm>> -> memref<20000xf32, #tpu.memory_space<hbm>>
      tpu.enqueue_dma source(%dma_start3A_160 : memref<20000xf32, #tpu.memory_space<hbm>>) target(%dma_start3A_159 : memref<20000xf32, #tpu.memory_space<vmem>>) target_semaphore(%run_scoped3A : memref<!tpu.dma_semaphore, #tpu.memory_space<semaphore_mem>>)
      %dma_wait3A_161 = tpu.memref_slice %arg6[%mul3A_48] : memref<100000xf32, #tpu.memory_space<vmem>> -> memref<20000xf32, #tpu.memory_space<vmem>>
      %dma_wait3A_162 = tpu.memref_slice %arg2[%mul3A_48] : memref<100000xf32, #tpu.memory_space<hbm>> -> memref<20000xf32, #tpu.memory_space<hbm>>
      %dma_wait3A_163 = tpu.memref_slice %arg6[%mul3A_48] : memref<100000xf32, #tpu.memory_space<vmem>> -> memref<20000xf32, #tpu.memory_space<vmem>>
      %dma_wait3A_164 = tpu.memref_slice %arg2[%mul3A_48] : memref<100000xf32, #tpu.memory_space<hbm>> -> memref<20000xf32, #tpu.memory_space<hbm>>
      tpu.wait_dma2 semaphore(%run_scoped3A : memref<!tpu.dma_semaphore, #tpu.memory_space<semaphore_mem>>) src(%dma_wait3A_164 : memref<20000xf32, #tpu.memory_space<hbm>>) dst(%dma_wait3A_163 : memref<20000xf32, #tpu.memory_space<vmem>>)
      tpu.yield
    }) : () -> ()
    %add3A_49 = arith.constant 3 : i32
    %add3A_50 = arith.addi %add3A_49, %rem3A_30 : i32
    %rem3A_51 = arith.constant 5 : i32
    %rem3A_52 = arith.remsi %add3A_50, %rem3A_51 : i32
    %mul3A_53 = arith.constant 20000 : i32
    %mul3A_54 = arith.muli %rem3A_52, %mul3A_53 : i32
    "tpu.region"() ({
      %run_scoped3A = tpu.sem_alloc : memref<!tpu.dma_semaphore, #tpu.memory_space<semaphore_mem>>
      %dma_start3A_157 = tpu.memref_slice %arg6[%mul3A_54] : memref<100000xf32, #tpu.memory_space<vmem>> -> memref<20000xf32, #tpu.memory_space<vmem>>
      %dma_start3A_158 = tpu.memref_slice %arg2[%mul3A_54] : memref<100000xf32, #tpu.memory_space<hbm>> -> memref<20000xf32, #tpu.memory_space<hbm>>
      %dma_start3A_159 = tpu.memref_slice %arg6[%mul3A_54] : memref<100000xf32, #tpu.memory_space<vmem>> -> memref<20000xf32, #tpu.memory_space<vmem>>
      %dma_start3A_160 = tpu.memref_slice %arg2[%mul3A_54] : memref<100000xf32, #tpu.memory_space<hbm>> -> memref<20000xf32, #tpu.memory_space<hbm>>
      tpu.enqueue_dma source(%dma_start3A_160 : memref<20000xf32, #tpu.memory_space<hbm>>) target(%dma_start3A_159 : memref<20000xf32, #tpu.memory_space<vmem>>) target_semaphore(%run_scoped3A : memref<!tpu.dma_semaphore, #tpu.memory_space<semaphore_mem>>)
      %dma_wait3A_161 = tpu.memref_slice %arg6[%mul3A_54] : memref<100000xf32, #tpu.memory_space<vmem>> -> memref<20000xf32, #tpu.memory_space<vmem>>
      %dma_wait3A_162 = tpu.memref_slice %arg2[%mul3A_54] : memref<100000xf32, #tpu.memory_space<hbm>> -> memref<20000xf32, #tpu.memory_space<hbm>>
      %dma_wait3A_163 = tpu.memref_slice %arg6[%mul3A_54] : memref<100000xf32, #tpu.memory_space<vmem>> -> memref<20000xf32, #tpu.memory_space<vmem>>
      %dma_wait3A_164 = tpu.memref_slice %arg2[%mul3A_54] : memref<100000xf32, #tpu.memory_space<hbm>> -> memref<20000xf32, #tpu.memory_space<hbm>>
      tpu.wait_dma2 semaphore(%run_scoped3A : memref<!tpu.dma_semaphore, #tpu.memory_space<semaphore_mem>>) src(%dma_wait3A_164 : memref<20000xf32, #tpu.memory_space<hbm>>) dst(%dma_wait3A_163 : memref<20000xf32, #tpu.memory_space<vmem>>)
      tpu.yield
    }) : () -> ()
    %add3A_55 = arith.constant 4 : i32
    %add3A_56 = arith.addi %add3A_55, %rem3A_30 : i32
    %rem3A_57 = arith.constant 5 : i32
    %rem3A_58 = arith.remsi %add3A_56, %rem3A_57 : i32
    %mul3A_59 = arith.constant 20000 : i32
    %mul3A_60 = arith.muli %rem3A_58, %mul3A_59 : i32
    "tpu.region"() ({
      %run_scoped3A = tpu.sem_alloc : memref<!tpu.dma_semaphore, #tpu.memory_space<semaphore_mem>>
      %dma_start3A_157 = tpu.memref_slice %arg6[%mul3A_60] : memref<100000xf32, #tpu.memory_space<vmem>> -> memref<20000xf32, #tpu.memory_space<vmem>>
      %dma_start3A_158 = tpu.memref_slice %arg2[%mul3A_60] : memref<100000xf32, #tpu.memory_space<hbm>> -> memref<20000xf32, #tpu.memory_space<hbm>>
      %dma_start3A_159 = tpu.memref_slice %arg6[%mul3A_60] : memref<100000xf32, #tpu.memory_space<vmem>> -> memref<20000xf32, #tpu.memory_space<vmem>>
      %dma_start3A_160 = tpu.memref_slice %arg2[%mul3A_60] : memref<100000xf32, #tpu.memory_space<hbm>> -> memref<20000xf32, #tpu.memory_space<hbm>>
      tpu.enqueue_dma source(%dma_start3A_160 : memref<20000xf32, #tpu.memory_space<hbm>>) target(%dma_start3A_159 : memref<20000xf32, #tpu.memory_space<vmem>>) target_semaphore(%run_scoped3A : memref<!tpu.dma_semaphore, #tpu.memory_space<semaphore_mem>>)
      %dma_wait3A_161 = tpu.memref_slice %arg6[%mul3A_60] : memref<100000xf32, #tpu.memory_space<vmem>> -> memref<20000xf32, #tpu.memory_space<vmem>>
      %dma_wait3A_162 = tpu.memref_slice %arg2[%mul3A_60] : memref<100000xf32, #tpu.memory_space<hbm>> -> memref<20000xf32, #tpu.memory_space<hbm>>
      %dma_wait3A_163 = tpu.memref_slice %arg6[%mul3A_60] : memref<100000xf32, #tpu.memory_space<vmem>> -> memref<20000xf32, #tpu.memory_space<vmem>>
      %dma_wait3A_164 = tpu.memref_slice %arg2[%mul3A_60] : memref<100000xf32, #tpu.memory_space<hbm>> -> memref<20000xf32, #tpu.memory_space<hbm>>
      tpu.wait_dma2 semaphore(%run_scoped3A : memref<!tpu.dma_semaphore, #tpu.memory_space<semaphore_mem>>) src(%dma_wait3A_164 : memref<20000xf32, #tpu.memory_space<hbm>>) dst(%dma_wait3A_163 : memref<20000xf32, #tpu.memory_space<vmem>>)
      tpu.yield
    }) : () -> ()
    %scan3A = arith.constant 0 : i32
    %scan3A_61 = arith.constant 0 : i32
    %scan3A_62 = arith.constant 80 : i32
    %scan3A_63 = arith.addi %scan3A_61, %scan3A_62 : i32
    %scan3A_64 = arith.constant 1 : i32
    %scan3A_65 = scf.for %scan3A_157 = %scan3A_61 to %scan3A_63 step %scan3A_64 iter_args(%scan3A_158 = %scan3A) -> (i32)  : i32 {
      %broadcast_in_dim3A = arith.constant 0.000000e+00 : f32
      %broadcast_in_dim3A_159 = vector.broadcast %broadcast_in_dim3A : f32 to vector<16xf32>
      %mul3A_160 = arith.constant 16 : i32
      %mul3A_161 = arith.muli %scan3A_157, %mul3A_160 : i32
      %swap3A = arith.index_cast %mul3A_161 : i32 to index
      %swap3A_162 = tpu.vector_load %arg16[%swap3A] {strides = array<i32>} : memref<1280xf32, #tpu.memory_space<vmem>>, vector<16xf32>,
      tpu.vector_store %arg16[%swap3A], %broadcast_in_dim3A_159 {strides = array<i32>} : memref<1280xf32, #tpu.memory_space<vmem>>, vector<16xf32>,
      %scan3A_163 = arith.constant 0 : i32
      scf.yield %scan3A_163 : i32
    }
    %scan3A_66 = arith.constant 80 : i32
    %mul3A_67 = arith.constant 6400 : i32
    %mul3A_68 = arith.muli %arg1, %mul3A_67 : i32
    %add3A_69 = arith.constant 0 : i32
    %add3A_70 = arith.addi %mul3A_68, %add3A_69 : i32
    "tpu.region"() ({
      %run_scoped3A = tpu.sem_alloc : memref<!tpu.dma_semaphore, #tpu.memory_space<semaphore_mem>>
      %dma_start3A_157 = arith.constant 0 : i32
      %dma_start3A_158 = tpu.memref_slice %arg16[%dma_start3A_157] : memref<1280xf32, #tpu.memory_space<vmem>> -> memref<1280xf32, #tpu.memory_space<vmem>>
      %dma_start3A_159 = tpu.memref_slice %arg25[%add3A_70] : memref<102400xf32, #tpu.memory_space<vmem_shared>> -> memref<1280xf32, #tpu.memory_space<vmem_shared>>
      %dma_start3A_160 = tpu.memref_slice %arg25[%add3A_70] : memref<102400xf32, #tpu.memory_space<vmem_shared>> -> memref<1280xf32, #tpu.memory_space<vmem_shared>>
      %dma_start3A_161 = arith.constant 0 : i32
      %dma_start3A_162 = tpu.memref_slice %arg16[%dma_start3A_161] : memref<1280xf32, #tpu.memory_space<vmem>> -> memref<1280xf32, #tpu.memory_space<vmem>>
      tpu.enqueue_dma source(%dma_start3A_162 : memref<1280xf32, #tpu.memory_space<vmem>>) target(%dma_start3A_160 : memref<1280xf32, #tpu.memory_space<vmem_shared>>) target_semaphore(%run_scoped3A : memref<!tpu.dma_semaphore, #tpu.memory_space<semaphore_mem>>)
      %dma_wait3A_163 = arith.constant 0 : i32
      %dma_wait3A_164 = tpu.memref_slice %arg16[%dma_wait3A_163] : memref<1280xf32, #tpu.memory_space<vmem>> -> memref<1280xf32, #tpu.memory_space<vmem>>
      %dma_wait3A_165 = tpu.memref_slice %arg25[%add3A_70] : memref<102400xf32, #tpu.memory_space<vmem_shared>> -> memref<1280xf32, #tpu.memory_space<vmem_shared>>
      %dma_wait3A_166 = tpu.memref_slice %arg25[%add3A_70] : memref<102400xf32, #tpu.memory_space<vmem_shared>> -> memref<1280xf32, #tpu.memory_space<vmem_shared>>
      %dma_wait3A_167 = arith.constant 0 : i32
      %dma_wait3A_168 = tpu.memref_slice %arg16[%dma_wait3A_167] : memref<1280xf32, #tpu.memory_space<vmem>> -> memref<1280xf32, #tpu.memory_space<vmem>>
      tpu.wait_dma2 semaphore(%run_scoped3A : memref<!tpu.dma_semaphore, #tpu.memory_space<semaphore_mem>>) src(%dma_wait3A_168 : memref<1280xf32, #tpu.memory_space<vmem>>) dst(%dma_wait3A_166 : memref<1280xf32, #tpu.memory_space<vmem_shared>>)
      tpu.yield
    }) : () -> ()
    %mul3A_71 = arith.constant 6400 : i32
    %mul3A_72 = arith.muli %arg1, %mul3A_71 : i32
    %add3A_73 = arith.constant 1280 : i32
    %add3A_74 = arith.addi %mul3A_72, %add3A_73 : i32
    "tpu.region"() ({
      %run_scoped3A = tpu.sem_alloc : memref<!tpu.dma_semaphore, #tpu.memory_space<semaphore_mem>>
      %dma_start3A_157 = arith.constant 0 : i32
      %dma_start3A_158 = tpu.memref_slice %arg16[%dma_start3A_157] : memref<1280xf32, #tpu.memory_space<vmem>> -> memref<1280xf32, #tpu.memory_space<vmem>>
      %dma_start3A_159 = tpu.memref_slice %arg25[%add3A_74] : memref<102400xf32, #tpu.memory_space<vmem_shared>> -> memref<1280xf32, #tpu.memory_space<vmem_shared>>
      %dma_start3A_160 = tpu.memref_slice %arg25[%add3A_74] : memref<102400xf32, #tpu.memory_space<vmem_shared>> -> memref<1280xf32, #tpu.memory_space<vmem_shared>>
      %dma_start3A_161 = arith.constant 0 : i32
      %dma_start3A_162 = tpu.memref_slice %arg16[%dma_start3A_161] : memref<1280xf32, #tpu.memory_space<vmem>> -> memref<1280xf32, #tpu.memory_space<vmem>>
      tpu.enqueue_dma source(%dma_start3A_162 : memref<1280xf32, #tpu.memory_space<vmem>>) target(%dma_start3A_160 : memref<1280xf32, #tpu.memory_space<vmem_shared>>) target_semaphore(%run_scoped3A : memref<!tpu.dma_semaphore, #tpu.memory_space<semaphore_mem>>)
      %dma_wait3A_163 = arith.constant 0 : i32
      %dma_wait3A_164 = tpu.memref_slice %arg16[%dma_wait3A_163] : memref<1280xf32, #tpu.memory_space<vmem>> -> memref<1280xf32, #tpu.memory_space<vmem>>
      %dma_wait3A_165 = tpu.memref_slice %arg25[%add3A_74] : memref<102400xf32, #tpu.memory_space<vmem_shared>> -> memref<1280xf32, #tpu.memory_space<vmem_shared>>
      %dma_wait3A_166 = tpu.memref_slice %arg25[%add3A_74] : memref<102400xf32, #tpu.memory_space<vmem_shared>> -> memref<1280xf32, #tpu.memory_space<vmem_shared>>
      %dma_wait3A_167 = arith.constant 0 : i32
      %dma_wait3A_168 = tpu.memref_slice %arg16[%dma_wait3A_167] : memref<1280xf32, #tpu.memory_space<vmem>> -> memref<1280xf32, #tpu.memory_space<vmem>>
      tpu.wait_dma2 semaphore(%run_scoped3A : memref<!tpu.dma_semaphore, #tpu.memory_space<semaphore_mem>>) src(%dma_wait3A_168 : memref<1280xf32, #tpu.memory_space<vmem>>) dst(%dma_wait3A_166 : memref<1280xf32, #tpu.memory_space<vmem_shared>>)
      tpu.yield
    }) : () -> ()
    %mul3A_75 = arith.constant 6400 : i32
    %mul3A_76 = arith.muli %arg1, %mul3A_75 : i32
    %add3A_77 = arith.constant 2560 : i32
    %add3A_78 = arith.addi %mul3A_76, %add3A_77 : i32
    "tpu.region"() ({
      %run_scoped3A = tpu.sem_alloc : memref<!tpu.dma_semaphore, #tpu.memory_space<semaphore_mem>>
      %dma_start3A_157 = arith.constant 0 : i32
      %dma_start3A_158 = tpu.memref_slice %arg16[%dma_start3A_157] : memref<1280xf32, #tpu.memory_space<vmem>> -> memref<1280xf32, #tpu.memory_space<vmem>>
      %dma_start3A_159 = tpu.memref_slice %arg25[%add3A_78] : memref<102400xf32, #tpu.memory_space<vmem_shared>> -> memref<1280xf32, #tpu.memory_space<vmem_shared>>
      %dma_start3A_160 = tpu.memref_slice %arg25[%add3A_78] : memref<102400xf32, #tpu.memory_space<vmem_shared>> -> memref<1280xf32, #tpu.memory_space<vmem_shared>>
      %dma_start3A_161 = arith.constant 0 : i32
      %dma_start3A_162 = tpu.memref_slice %arg16[%dma_start3A_161] : memref<1280xf32, #tpu.memory_space<vmem>> -> memref<1280xf32, #tpu.memory_space<vmem>>
      tpu.enqueue_dma source(%dma_start3A_162 : memref<1280xf32, #tpu.memory_space<vmem>>) target(%dma_start3A_160 : memref<1280xf32, #tpu.memory_space<vmem_shared>>) target_semaphore(%run_scoped3A : memref<!tpu.dma_semaphore, #tpu.memory_space<semaphore_mem>>)
      %dma_wait3A_163 = arith.constant 0 : i32
      %dma_wait3A_164 = tpu.memref_slice %arg16[%dma_wait3A_163] : memref<1280xf32, #tpu.memory_space<vmem>> -> memref<1280xf32, #tpu.memory_space<vmem>>
      %dma_wait3A_165 = tpu.memref_slice %arg25[%add3A_78] : memref<102400xf32, #tpu.memory_space<vmem_shared>> -> memref<1280xf32, #tpu.memory_space<vmem_shared>>
      %dma_wait3A_166 = tpu.memref_slice %arg25[%add3A_78] : memref<102400xf32, #tpu.memory_space<vmem_shared>> -> memref<1280xf32, #tpu.memory_space<vmem_shared>>
      %dma_wait3A_167 = arith.constant 0 : i32
      %dma_wait3A_168 = tpu.memref_slice %arg16[%dma_wait3A_167] : memref<1280xf32, #tpu.memory_space<vmem>> -> memref<1280xf32, #tpu.memory_space<vmem>>
      tpu.wait_dma2 semaphore(%run_scoped3A : memref<!tpu.dma_semaphore, #tpu.memory_space<semaphore_mem>>) src(%dma_wait3A_168 : memref<1280xf32, #tpu.memory_space<vmem>>) dst(%dma_wait3A_166 : memref<1280xf32, #tpu.memory_space<vmem_shared>>)
      tpu.yield
    }) : () -> ()
    %mul3A_79 = arith.constant 6400 : i32
    %mul3A_80 = arith.muli %arg1, %mul3A_79 : i32
    %add3A_81 = arith.constant 3840 : i32
    %add3A_82 = arith.addi %mul3A_80, %add3A_81 : i32
    "tpu.region"() ({
      %run_scoped3A = tpu.sem_alloc : memref<!tpu.dma_semaphore, #tpu.memory_space<semaphore_mem>>
      %dma_start3A_157 = arith.constant 0 : i32
      %dma_start3A_158 = tpu.memref_slice %arg16[%dma_start3A_157] : memref<1280xf32, #tpu.memory_space<vmem>> -> memref<1280xf32, #tpu.memory_space<vmem>>
      %dma_start3A_159 = tpu.memref_slice %arg25[%add3A_82] : memref<102400xf32, #tpu.memory_space<vmem_shared>> -> memref<1280xf32, #tpu.memory_space<vmem_shared>>
      %dma_start3A_160 = tpu.memref_slice %arg25[%add3A_82] : memref<102400xf32, #tpu.memory_space<vmem_shared>> -> memref<1280xf32, #tpu.memory_space<vmem_shared>>
      %dma_start3A_161 = arith.constant 0 : i32
      %dma_start3A_162 = tpu.memref_slice %arg16[%dma_start3A_161] : memref<1280xf32, #tpu.memory_space<vmem>> -> memref<1280xf32, #tpu.memory_space<vmem>>
      tpu.enqueue_dma source(%dma_start3A_162 : memref<1280xf32, #tpu.memory_space<vmem>>) target(%dma_start3A_160 : memref<1280xf32, #tpu.memory_space<vmem_shared>>) target_semaphore(%run_scoped3A : memref<!tpu.dma_semaphore, #tpu.memory_space<semaphore_mem>>)
      %dma_wait3A_163 = arith.constant 0 : i32
      %dma_wait3A_164 = tpu.memref_slice %arg16[%dma_wait3A_163] : memref<1280xf32, #tpu.memory_space<vmem>> -> memref<1280xf32, #tpu.memory_space<vmem>>
      %dma_wait3A_165 = tpu.memref_slice %arg25[%add3A_82] : memref<102400xf32, #tpu.memory_space<vmem_shared>> -> memref<1280xf32, #tpu.memory_space<vmem_shared>>
      %dma_wait3A_166 = tpu.memref_slice %arg25[%add3A_82] : memref<102400xf32, #tpu.memory_space<vmem_shared>> -> memref<1280xf32, #tpu.memory_space<vmem_shared>>
      %dma_wait3A_167 = arith.constant 0 : i32
      %dma_wait3A_168 = tpu.memref_slice %arg16[%dma_wait3A_167] : memref<1280xf32, #tpu.memory_space<vmem>> -> memref<1280xf32, #tpu.memory_space<vmem>>
      tpu.wait_dma2 semaphore(%run_scoped3A : memref<!tpu.dma_semaphore, #tpu.memory_space<semaphore_mem>>) src(%dma_wait3A_168 : memref<1280xf32, #tpu.memory_space<vmem>>) dst(%dma_wait3A_166 : memref<1280xf32, #tpu.memory_space<vmem_shared>>)
      tpu.yield
    }) : () -> ()
    %mul3A_83 = arith.constant 6400 : i32
    %mul3A_84 = arith.muli %arg1, %mul3A_83 : i32
    %add3A_85 = arith.constant 5120 : i32
    %add3A_86 = arith.addi %mul3A_84, %add3A_85 : i32
    "tpu.region"() ({
      %run_scoped3A = tpu.sem_alloc : memref<!tpu.dma_semaphore, #tpu.memory_space<semaphore_mem>>
      %dma_start3A_157 = arith.constant 0 : i32
      %dma_start3A_158 = tpu.memref_slice %arg16[%dma_start3A_157] : memref<1280xf32, #tpu.memory_space<vmem>> -> memref<1280xf32, #tpu.memory_space<vmem>>
      %dma_start3A_159 = tpu.memref_slice %arg25[%add3A_86] : memref<102400xf32, #tpu.memory_space<vmem_shared>> -> memref<1280xf32, #tpu.memory_space<vmem_shared>>
      %dma_start3A_160 = tpu.memref_slice %arg25[%add3A_86] : memref<102400xf32, #tpu.memory_space<vmem_shared>> -> memref<1280xf32, #tpu.memory_space<vmem_shared>>
      %dma_start3A_161 = arith.constant 0 : i32
      %dma_start3A_162 = tpu.memref_slice %arg16[%dma_start3A_161] : memref<1280xf32, #tpu.memory_space<vmem>> -> memref<1280xf32, #tpu.memory_space<vmem>>
      tpu.enqueue_dma source(%dma_start3A_162 : memref<1280xf32, #tpu.memory_space<vmem>>) target(%dma_start3A_160 : memref<1280xf32, #tpu.memory_space<vmem_shared>>) target_semaphore(%run_scoped3A : memref<!tpu.dma_semaphore, #tpu.memory_space<semaphore_mem>>)
      %dma_wait3A_163 = arith.constant 0 : i32
      %dma_wait3A_164 = tpu.memref_slice %arg16[%dma_wait3A_163] : memref<1280xf32, #tpu.memory_space<vmem>> -> memref<1280xf32, #tpu.memory_space<vmem>>
      %dma_wait3A_165 = tpu.memref_slice %arg25[%add3A_86] : memref<102400xf32, #tpu.memory_space<vmem_shared>> -> memref<1280xf32, #tpu.memory_space<vmem_shared>>
      %dma_wait3A_166 = tpu.memref_slice %arg25[%add3A_86] : memref<102400xf32, #tpu.memory_space<vmem_shared>> -> memref<1280xf32, #tpu.memory_space<vmem_shared>>
      %dma_wait3A_167 = arith.constant 0 : i32
      %dma_wait3A_168 = tpu.memref_slice %arg16[%dma_wait3A_167] : memref<1280xf32, #tpu.memory_space<vmem>> -> memref<1280xf32, #tpu.memory_space<vmem>>
      tpu.wait_dma2 semaphore(%run_scoped3A : memref<!tpu.dma_semaphore, #tpu.memory_space<semaphore_mem>>) src(%dma_wait3A_168 : memref<1280xf32, #tpu.memory_space<vmem>>) dst(%dma_wait3A_166 : memref<1280xf32, #tpu.memory_space<vmem_shared>>)
      tpu.yield
    }) : () -> ()
    %barrier3A = arith.constant 0 : index
    tpu.barrier barrier_id(%barrier3A)
    %scan3A_87 = arith.constant 0 : i32
    %scan3A_88 = arith.constant 0 : i32
    %scan3A_89 = arith.constant 52 : i32
    %scan3A_90 = arith.addi %scan3A_88, %scan3A_89 : i32
    %scan3A_91 = arith.constant 1 : i32
    %scan3A_92 = scf.for %scan3A_157 = %scan3A_88 to %scan3A_90 step %scan3A_91 iter_args(%scan3A_158 = %scan3A_87) -> (i32)  : i32 {
      %dma_wait3A_159 = arith.constant 0 : i32
      %dma_wait3A_160 = arith.constant 0 : i32
      %dma_wait3A_161 = tpu.memref_slice %arg3[%dma_wait3A_159, %dma_wait3A_160] : memref<2x6400000xi32, #tpu.memory_space<hbm>> -> memref<2x1280xi32, #tpu.memory_space<hbm>>
      %dma_wait3A_162 = arith.constant 0 : i32
      %dma_wait3A_163 = arith.constant 0 : i32
      %dma_wait3A_164 = tpu.memref_slice %arg3[%dma_wait3A_162, %dma_wait3A_163] : memref<2x6400000xi32, #tpu.memory_space<hbm>> -> memref<2x1280xi32, #tpu.memory_space<hbm>>
      tpu.wait_dma2 semaphore(%arg19 : memref<!tpu.dma_semaphore, #tpu.memory_space<semaphore_mem>>) src(%dma_wait3A_164 : memref<2x1280xi32, #tpu.memory_space<hbm>>) dst(%arg7 : memref<2x1280xi32, #tpu.memory_space<vmem>>)
      %dma_wait3A_165 = arith.constant 0 : i32
      %dma_wait3A_166 = tpu.memref_slice %arg4[%dma_wait3A_165] : memref<6400000xf32, #tpu.memory_space<hbm>> -> memref<1280xf32, #tpu.memory_space<hbm>>
      %dma_wait3A_167 = arith.constant 0 : i32
      %dma_wait3A_168 = tpu.memref_slice %arg4[%dma_wait3A_167] : memref<6400000xf32, #tpu.memory_space<hbm>> -> memref<1280xf32, #tpu.memory_space<hbm>>
      tpu.wait_dma2 semaphore(%arg19 : memref<!tpu.dma_semaphore, #tpu.memory_space<semaphore_mem>>) src(%dma_wait3A_168 : memref<1280xf32, #tpu.memory_space<hbm>>) dst(%arg13 : memref<1280xf32, #tpu.memory_space<vmem>>)
      %gt3A = arith.constant 0 : i32
      %gt3A_169 = arith.cmpi sgt, %scan3A_157, %gt3A : i32
      %convert_element_type3A_170 = arith.extui %gt3A_169 : i1 to i32
      %cond3A_171 = arith.constant 0 : i32
      %cond3A_172 = arith.cmpi ne, %convert_element_type3A_170, %cond3A_171 : i32
      scf.if %cond3A_172 {
        %dma_wait3A_239 = arith.constant 0 : i32
        %dma_wait3A_240 = tpu.memref_slice %arg25[%dma_wait3A_239] : memref<102400xf32, #tpu.memory_space<vmem_shared>> -> memref<102400xf32, #tpu.memory_space<vmem_shared>>
        tpu.wait_indirect_dma semaphore(%arg22 : memref<!tpu.dma_semaphore, #tpu.memory_space<semaphore_mem>>) src(%arg16 : memref<1280xf32, #tpu.memory_space<vmem>>) dst(%dma_wait3A_240 : memref<102400xf32, #tpu.memory_space<vmem_shared>>)
      } else {
      }
      %parallel_loop3A = arith.constant 0 : i32
      %parallel_loop3A_173 = arith.constant 1280 : i32
      %parallel_loop3A_174 = arith.constant 16 : i32
      scf.for %parallel_loop3A_239 = %parallel_loop3A to %parallel_loop3A_173 step %parallel_loop3A_174  : i32 {
        %parallel_loop3A_240 = arith.constant 0 : i32
        %parallel_loop3A_241 = arith.index_cast %parallel_loop3A_240 : i32 to index
        %parallel_loop3A_242 = arith.index_cast %parallel_loop3A_239 : i32 to index
        %parallel_loop3A_243 = tpu.vector_load %arg7[%parallel_loop3A_241, %parallel_loop3A_242] {strides = array<i32>} : memref<2x1280xi32, #tpu.memory_space<vmem>>, vector<16xi32>,
        %parallel_loop3A_244 = tpu.vector_load_idx %arg6[%parallel_loop3A_243] : memref<100000xf32, #tpu.memory_space<vmem>>[vector<16xi32>], vector<16xf32>,
        %parallel_loop3A_245 = arith.index_cast %parallel_loop3A_239 : i32 to index
        %parallel_loop3A_246 = tpu.vector_load %arg13[%parallel_loop3A_245] {strides = array<i32>} : memref<1280xf32, #tpu.memory_space<vmem>>, vector<16xf32>,
        %parallel_loop3A_247 = arith.mulf %parallel_loop3A_246, %parallel_loop3A_244 : vector<16xf32>
        %parallel_loop3A_248 = arith.index_cast %parallel_loop3A_239 : i32 to index
        %parallel_loop3A_249 = tpu.vector_load %arg16[%parallel_loop3A_248] {strides = array<i32>} : memref<1280xf32, #tpu.memory_space<vmem>>, vector<16xf32>,
        tpu.vector_store %arg16[%parallel_loop3A_248], %parallel_loop3A_247 {strides = array<i32>} : memref<1280xf32, #tpu.memory_space<vmem>>, vector<16xf32>,
        %parallel_loop3A_250 = arith.constant 1 : i32
        %parallel_loop3A_251 = arith.index_cast %parallel_loop3A_250 : i32 to index
        %parallel_loop3A_252 = arith.index_cast %parallel_loop3A_239 : i32 to index
        %parallel_loop3A_253 = tpu.vector_load %arg7[%parallel_loop3A_251, %parallel_loop3A_252] {strides = array<i32>} : memref<2x1280xi32, #tpu.memory_space<vmem>>, vector<16xi32>,
        %parallel_loop3A_254 = arith.index_cast %parallel_loop3A_239 : i32 to index
        %parallel_loop3A_255 = tpu.vector_load %arg10[%parallel_loop3A_254] {strides = array<i32>} : memref<1280xi32, #tpu.memory_space<vmem>>, vector<16xi32>,
        tpu.vector_store %arg10[%parallel_loop3A_254], %parallel_loop3A_253 {strides = array<i32>} : memref<1280xi32, #tpu.memory_space<vmem>>, vector<16xi32>,
      } {sc.loop_unroll_factor = 8 : i64, sc.parallel_access}
      %add3A_175 = arith.constant 1 : i32
      %add3A_176 = arith.addi %scan3A_157, %add3A_175 : i32
      %lt3A_177 = arith.constant 52 : i32
      %lt3A_178 = arith.cmpi slt, %add3A_176, %lt3A_177 : i32
      %convert_element_type3A_179 = arith.extui %lt3A_178 : i1 to i32
      %cond3A_180 = arith.constant 0 : i32
      %cond3A_181 = arith.cmpi ne, %convert_element_type3A_179, %cond3A_180 : i32
      scf.if %cond3A_181 {
        %add3A_239 = arith.constant 1 : i32
        %add3A_240 = arith.addi %scan3A_157, %add3A_239 : i32
        %mul3A_241 = arith.constant 3 : i32
        %mul3A_242 = arith.muli %add3A_240, %mul3A_241 : i32
        %add3A_243 = arith.constant 0 : i32
        %add3A_244 = arith.addi %mul3A_242, %add3A_243 : i32
        %mul3A_245 = arith.constant 32 : i32
        %mul3A_246 = arith.muli %mul3A_245, %add3A_244 : i32
        %add3A_247 = arith.addi %add3A, %mul3A_246 : i32
        %mul3A_248 = arith.constant 1280 : i32
        %mul3A_249 = arith.muli %add3A_247, %mul3A_248 : i32
        %dma_start3A_250 = arith.constant 0 : i32
        %dma_start3A_251 = tpu.memref_slice %arg3[%dma_start3A_250, %mul3A_249] : memref<2x6400000xi32, #tpu.memory_space<hbm>> -> memref<2x1280xi32, #tpu.memory_space<hbm>>
        %dma_start3A_252 = arith.constant 0 : i32
        %dma_start3A_253 = tpu.memref_slice %arg3[%dma_start3A_252, %mul3A_249] : memref<2x6400000xi32, #tpu.memory_space<hbm>> -> memref<2x1280xi32, #tpu.memory_space<hbm>>
        tpu.enqueue_dma source(%dma_start3A_253 : memref<2x1280xi32, #tpu.memory_space<hbm>>) target(%arg7 : memref<2x1280xi32, #tpu.memory_space<vmem>>) target_semaphore(%arg19 : memref<!tpu.dma_semaphore, #tpu.memory_space<semaphore_mem>>)
        %dma_start3A_254 = tpu.memref_slice %arg4[%mul3A_249] : memref<6400000xf32, #tpu.memory_space<hbm>> -> memref<1280xf32, #tpu.memory_space<hbm>>
        %dma_start3A_255 = tpu.memref_slice %arg4[%mul3A_249] : memref<6400000xf32, #tpu.memory_space<hbm>> -> memref<1280xf32, #tpu.memory_space<hbm>>
        tpu.enqueue_dma source(%dma_start3A_255 : memref<1280xf32, #tpu.memory_space<hbm>>) target(%arg13 : memref<1280xf32, #tpu.memory_space<vmem>>) target_semaphore(%arg19 : memref<!tpu.dma_semaphore, #tpu.memory_space<semaphore_mem>>)
      } else {
      }
      %dma_start3A_182 = arith.constant 0 : i32
      %dma_start3A_183 = tpu.memref_slice %arg25[%dma_start3A_182] : memref<102400xf32, #tpu.memory_space<vmem_shared>> -> memref<102400xf32, #tpu.memory_space<vmem_shared>>
      tpu.enqueue_indirect_dma source(%arg16 : memref<1280xf32, #tpu.memory_space<vmem>>) target(%dma_start3A_183 : memref<102400xf32, #tpu.memory_space<vmem_shared>>) offsets(%arg10 : memref<1280xi32, #tpu.memory_space<vmem>>) semaphore(%arg22 : memref<!tpu.dma_semaphore, #tpu.memory_space<semaphore_mem>>) {add = true}
      %dma_wait3A_184 = arith.constant 0 : i32
      %dma_wait3A_185 = arith.constant 0 : i32
      %dma_wait3A_186 = tpu.memref_slice %arg3[%dma_wait3A_184, %dma_wait3A_185] : memref<2x6400000xi32, #tpu.memory_space<hbm>> -> memref<2x1280xi32, #tpu.memory_space<hbm>>
      %dma_wait3A_187 = arith.constant 0 : i32
      %dma_wait3A_188 = arith.constant 0 : i32
      %dma_wait3A_189 = tpu.memref_slice %arg3[%dma_wait3A_187, %dma_wait3A_188] : memref<2x6400000xi32, #tpu.memory_space<hbm>> -> memref<2x1280xi32, #tpu.memory_space<hbm>>
      tpu.wait_dma2 semaphore(%arg20 : memref<!tpu.dma_semaphore, #tpu.memory_space<semaphore_mem>>) src(%dma_wait3A_189 : memref<2x1280xi32, #tpu.memory_space<hbm>>) dst(%arg8 : memref<2x1280xi32, #tpu.memory_space<vmem>>)
      %dma_wait3A_190 = arith.constant 0 : i32
      %dma_wait3A_191 = tpu.memref_slice %arg4[%dma_wait3A_190] : memref<6400000xf32, #tpu.memory_space<hbm>> -> memref<1280xf32, #tpu.memory_space<hbm>>
      %dma_wait3A_192 = arith.constant 0 : i32
      %dma_wait3A_193 = tpu.memref_slice %arg4[%dma_wait3A_192] : memref<6400000xf32, #tpu.memory_space<hbm>> -> memref<1280xf32, #tpu.memory_space<hbm>>
      tpu.wait_dma2 semaphore(%arg20 : memref<!tpu.dma_semaphore, #tpu.memory_space<semaphore_mem>>) src(%dma_wait3A_193 : memref<1280xf32, #tpu.memory_space<hbm>>) dst(%arg14 : memref<1280xf32, #tpu.memory_space<vmem>>)
      %gt3A_194 = arith.constant 0 : i32
      %gt3A_195 = arith.cmpi sgt, %scan3A_157, %gt3A_194 : i32
      %convert_element_type3A_196 = arith.extui %gt3A_195 : i1 to i32
      %cond3A_197 = arith.constant 0 : i32
      %cond3A_198 = arith.cmpi ne, %convert_element_type3A_196, %cond3A_197 : i32
      scf.if %cond3A_198 {
        %dma_wait3A_239 = arith.constant 0 : i32
        %dma_wait3A_240 = tpu.memref_slice %arg25[%dma_wait3A_239] : memref<102400xf32, #tpu.memory_space<vmem_shared>> -> memref<102400xf32, #tpu.memory_space<vmem_shared>>
        tpu.wait_indirect_dma semaphore(%arg23 : memref<!tpu.dma_semaphore, #tpu.memory_space<semaphore_mem>>) src(%arg17 : memref<1280xf32, #tpu.memory_space<vmem>>) dst(%dma_wait3A_240 : memref<102400xf32, #tpu.memory_space<vmem_shared>>)
      } else {
      }
      %parallel_loop3A_199 = arith.constant 0 : i32
      %parallel_loop3A_200 = arith.constant 1280 : i32
      %parallel_loop3A_201 = arith.constant 16 : i32
      scf.for %parallel_loop3A_239 = %parallel_loop3A_199 to %parallel_loop3A_200 step %parallel_loop3A_201  : i32 {
        %parallel_loop3A_240 = arith.constant 0 : i32
        %parallel_loop3A_241 = arith.index_cast %parallel_loop3A_240 : i32 to index
        %parallel_loop3A_242 = arith.index_cast %parallel_loop3A_239 : i32 to index
        %parallel_loop3A_243 = tpu.vector_load %arg8[%parallel_loop3A_241, %parallel_loop3A_242] {strides = array<i32>} : memref<2x1280xi32, #tpu.memory_space<vmem>>, vector<16xi32>,
        %parallel_loop3A_244 = tpu.vector_load_idx %arg6[%parallel_loop3A_243] : memref<100000xf32, #tpu.memory_space<vmem>>[vector<16xi32>], vector<16xf32>,
        %parallel_loop3A_245 = arith.index_cast %parallel_loop3A_239 : i32 to index
        %parallel_loop3A_246 = tpu.vector_load %arg14[%parallel_loop3A_245] {strides = array<i32>} : memref<1280xf32, #tpu.memory_space<vmem>>, vector<16xf32>,
        %parallel_loop3A_247 = arith.mulf %parallel_loop3A_246, %parallel_loop3A_244 : vector<16xf32>
        %parallel_loop3A_248 = arith.index_cast %parallel_loop3A_239 : i32 to index
        %parallel_loop3A_249 = tpu.vector_load %arg17[%parallel_loop3A_248] {strides = array<i32>} : memref<1280xf32, #tpu.memory_space<vmem>>, vector<16xf32>,
        tpu.vector_store %arg17[%parallel_loop3A_248], %parallel_loop3A_247 {strides = array<i32>} : memref<1280xf32, #tpu.memory_space<vmem>>, vector<16xf32>,
        %parallel_loop3A_250 = arith.constant 1 : i32
        %parallel_loop3A_251 = arith.index_cast %parallel_loop3A_250 : i32 to index
        %parallel_loop3A_252 = arith.index_cast %parallel_loop3A_239 : i32 to index
        %parallel_loop3A_253 = tpu.vector_load %arg8[%parallel_loop3A_251, %parallel_loop3A_252] {strides = array<i32>} : memref<2x1280xi32, #tpu.memory_space<vmem>>, vector<16xi32>,
        %parallel_loop3A_254 = arith.index_cast %parallel_loop3A_239 : i32 to index
        %parallel_loop3A_255 = tpu.vector_load %arg11[%parallel_loop3A_254] {strides = array<i32>} : memref<1280xi32, #tpu.memory_space<vmem>>, vector<16xi32>,
        tpu.vector_store %arg11[%parallel_loop3A_254], %parallel_loop3A_253 {strides = array<i32>} : memref<1280xi32, #tpu.memory_space<vmem>>, vector<16xi32>,
      } {sc.loop_unroll_factor = 8 : i64, sc.parallel_access}
      %add3A_202 = arith.constant 1 : i32
      %add3A_203 = arith.addi %scan3A_157, %add3A_202 : i32
      %lt3A_204 = arith.constant 52 : i32
      %lt3A_205 = arith.cmpi slt, %add3A_203, %lt3A_204 : i32
      %convert_element_type3A_206 = arith.extui %lt3A_205 : i1 to i32
      %cond3A_207 = arith.constant 0 : i32
      %cond3A_208 = arith.cmpi ne, %convert_element_type3A_206, %cond3A_207 : i32
      scf.if %cond3A_208 {
        %add3A_239 = arith.constant 1 : i32
        %add3A_240 = arith.addi %scan3A_157, %add3A_239 : i32
        %mul3A_241 = arith.constant 3 : i32
        %mul3A_242 = arith.muli %add3A_240, %mul3A_241 : i32
        %add3A_243 = arith.constant 1 : i32
        %add3A_244 = arith.addi %mul3A_242, %add3A_243 : i32
        %mul3A_245 = arith.constant 32 : i32
        %mul3A_246 = arith.muli %mul3A_245, %add3A_244 : i32
        %add3A_247 = arith.addi %add3A, %mul3A_246 : i32
        %mul3A_248 = arith.constant 1280 : i32
        %mul3A_249 = arith.muli %add3A_247, %mul3A_248 : i32
        %dma_start3A_250 = arith.constant 0 : i32
        %dma_start3A_251 = tpu.memref_slice %arg3[%dma_start3A_250, %mul3A_249] : memref<2x6400000xi32, #tpu.memory_space<hbm>> -> memref<2x1280xi32, #tpu.memory_space<hbm>>
        %dma_start3A_252 = arith.constant 0 : i32
        %dma_start3A_253 = tpu.memref_slice %arg3[%dma_start3A_252, %mul3A_249] : memref<2x6400000xi32, #tpu.memory_space<hbm>> -> memref<2x1280xi32, #tpu.memory_space<hbm>>
        tpu.enqueue_dma source(%dma_start3A_253 : memref<2x1280xi32, #tpu.memory_space<hbm>>) target(%arg8 : memref<2x1280xi32, #tpu.memory_space<vmem>>) target_semaphore(%arg20 : memref<!tpu.dma_semaphore, #tpu.memory_space<semaphore_mem>>)
        %dma_start3A_254 = tpu.memref_slice %arg4[%mul3A_249] : memref<6400000xf32, #tpu.memory_space<hbm>> -> memref<1280xf32, #tpu.memory_space<hbm>>
        %dma_start3A_255 = tpu.memref_slice %arg4[%mul3A_249] : memref<6400000xf32, #tpu.memory_space<hbm>> -> memref<1280xf32, #tpu.memory_space<hbm>>
        tpu.enqueue_dma source(%dma_start3A_255 : memref<1280xf32, #tpu.memory_space<hbm>>) target(%arg14 : memref<1280xf32, #tpu.memory_space<vmem>>) target_semaphore(%arg20 : memref<!tpu.dma_semaphore, #tpu.memory_space<semaphore_mem>>)
      } else {
      }
      %dma_start3A_209 = arith.constant 0 : i32
      %dma_start3A_210 = tpu.memref_slice %arg25[%dma_start3A_209] : memref<102400xf32, #tpu.memory_space<vmem_shared>> -> memref<102400xf32, #tpu.memory_space<vmem_shared>>
      tpu.enqueue_indirect_dma source(%arg17 : memref<1280xf32, #tpu.memory_space<vmem>>) target(%dma_start3A_210 : memref<102400xf32, #tpu.memory_space<vmem_shared>>) offsets(%arg11 : memref<1280xi32, #tpu.memory_space<vmem>>) semaphore(%arg23 : memref<!tpu.dma_semaphore, #tpu.memory_space<semaphore_mem>>) {add = true}
      %dma_wait3A_211 = arith.constant 0 : i32
      %dma_wait3A_212 = arith.constant 0 : i32
      %dma_wait3A_213 = tpu.memref_slice %arg3[%dma_wait3A_211, %dma_wait3A_212] : memref<2x6400000xi32, #tpu.memory_space<hbm>> -> memref<2x1280xi32, #tpu.memory_space<hbm>>
      %dma_wait3A_214 = arith.constant 0 : i32
      %dma_wait3A_215 = arith.constant 0 : i32
      %dma_wait3A_216 = tpu.memref_slice %arg3[%dma_wait3A_214, %dma_wait3A_215] : memref<2x6400000xi32, #tpu.memory_space<hbm>> -> memref<2x1280xi32, #tpu.memory_space<hbm>>
      tpu.wait_dma2 semaphore(%arg21 : memref<!tpu.dma_semaphore, #tpu.memory_space<semaphore_mem>>) src(%dma_wait3A_216 : memref<2x1280xi32, #tpu.memory_space<hbm>>) dst(%arg9 : memref<2x1280xi32, #tpu.memory_space<vmem>>)
      %dma_wait3A_217 = arith.constant 0 : i32
      %dma_wait3A_218 = tpu.memref_slice %arg4[%dma_wait3A_217] : memref<6400000xf32, #tpu.memory_space<hbm>> -> memref<1280xf32, #tpu.memory_space<hbm>>
      %dma_wait3A_219 = arith.constant 0 : i32
      %dma_wait3A_220 = tpu.memref_slice %arg4[%dma_wait3A_219] : memref<6400000xf32, #tpu.memory_space<hbm>> -> memref<1280xf32, #tpu.memory_space<hbm>>
      tpu.wait_dma2 semaphore(%arg21 : memref<!tpu.dma_semaphore, #tpu.memory_space<semaphore_mem>>) src(%dma_wait3A_220 : memref<1280xf32, #tpu.memory_space<hbm>>) dst(%arg15 : memref<1280xf32, #tpu.memory_space<vmem>>)
      %gt3A_221 = arith.constant 0 : i32
      %gt3A_222 = arith.cmpi sgt, %scan3A_157, %gt3A_221 : i32
      %convert_element_type3A_223 = arith.extui %gt3A_222 : i1 to i32
      %cond3A_224 = arith.constant 0 : i32
      %cond3A_225 = arith.cmpi ne, %convert_element_type3A_223, %cond3A_224 : i32
      scf.if %cond3A_225 {
        %dma_wait3A_239 = arith.constant 0 : i32
        %dma_wait3A_240 = tpu.memref_slice %arg25[%dma_wait3A_239] : memref<102400xf32, #tpu.memory_space<vmem_shared>> -> memref<102400xf32, #tpu.memory_space<vmem_shared>>
        tpu.wait_indirect_dma semaphore(%arg24 : memref<!tpu.dma_semaphore, #tpu.memory_space<semaphore_mem>>) src(%arg18 : memref<1280xf32, #tpu.memory_space<vmem>>) dst(%dma_wait3A_240 : memref<102400xf32, #tpu.memory_space<vmem_shared>>)
      } else {
      }
      %parallel_loop3A_226 = arith.constant 0 : i32
      %parallel_loop3A_227 = arith.constant 1280 : i32
      %parallel_loop3A_228 = arith.constant 16 : i32
      scf.for %parallel_loop3A_239 = %parallel_loop3A_226 to %parallel_loop3A_227 step %parallel_loop3A_228  : i32 {
        %parallel_loop3A_240 = arith.constant 0 : i32
        %parallel_loop3A_241 = arith.index_cast %parallel_loop3A_240 : i32 to index
        %parallel_loop3A_242 = arith.index_cast %parallel_loop3A_239 : i32 to index
        %parallel_loop3A_243 = tpu.vector_load %arg9[%parallel_loop3A_241, %parallel_loop3A_242] {strides = array<i32>} : memref<2x1280xi32, #tpu.memory_space<vmem>>, vector<16xi32>,
        %parallel_loop3A_244 = tpu.vector_load_idx %arg6[%parallel_loop3A_243] : memref<100000xf32, #tpu.memory_space<vmem>>[vector<16xi32>], vector<16xf32>,
        %parallel_loop3A_245 = arith.index_cast %parallel_loop3A_239 : i32 to index
        %parallel_loop3A_246 = tpu.vector_load %arg15[%parallel_loop3A_245] {strides = array<i32>} : memref<1280xf32, #tpu.memory_space<vmem>>, vector<16xf32>,
        %parallel_loop3A_247 = arith.mulf %parallel_loop3A_246, %parallel_loop3A_244 : vector<16xf32>
        %parallel_loop3A_248 = arith.index_cast %parallel_loop3A_239 : i32 to index
        %parallel_loop3A_249 = tpu.vector_load %arg18[%parallel_loop3A_248] {strides = array<i32>} : memref<1280xf32, #tpu.memory_space<vmem>>, vector<16xf32>,
        tpu.vector_store %arg18[%parallel_loop3A_248], %parallel_loop3A_247 {strides = array<i32>} : memref<1280xf32, #tpu.memory_space<vmem>>, vector<16xf32>,
        %parallel_loop3A_250 = arith.constant 1 : i32
        %parallel_loop3A_251 = arith.index_cast %parallel_loop3A_250 : i32 to index
        %parallel_loop3A_252 = arith.index_cast %parallel_loop3A_239 : i32 to index
        %parallel_loop3A_253 = tpu.vector_load %arg9[%parallel_loop3A_251, %parallel_loop3A_252] {strides = array<i32>} : memref<2x1280xi32, #tpu.memory_space<vmem>>, vector<16xi32>,
        %parallel_loop3A_254 = arith.index_cast %parallel_loop3A_239 : i32 to index
        %parallel_loop3A_255 = tpu.vector_load %arg12[%parallel_loop3A_254] {strides = array<i32>} : memref<1280xi32, #tpu.memory_space<vmem>>, vector<16xi32>,
        tpu.vector_store %arg12[%parallel_loop3A_254], %parallel_loop3A_253 {strides = array<i32>} : memref<1280xi32, #tpu.memory_space<vmem>>, vector<16xi32>,
      } {sc.loop_unroll_factor = 8 : i64, sc.parallel_access}
      %add3A_229 = arith.constant 1 : i32
      %add3A_230 = arith.addi %scan3A_157, %add3A_229 : i32
      %lt3A_231 = arith.constant 52 : i32
      %lt3A_232 = arith.cmpi slt, %add3A_230, %lt3A_231 : i32
      %convert_element_type3A_233 = arith.extui %lt3A_232 : i1 to i32
      %cond3A_234 = arith.constant 0 : i32
      %cond3A_235 = arith.cmpi ne, %convert_element_type3A_233, %cond3A_234 : i32
      scf.if %cond3A_235 {
        %add3A_239 = arith.constant 1 : i32
        %add3A_240 = arith.addi %scan3A_157, %add3A_239 : i32
        %mul3A_241 = arith.constant 3 : i32
        %mul3A_242 = arith.muli %add3A_240, %mul3A_241 : i32
        %add3A_243 = arith.constant 2 : i32
        %add3A_244 = arith.addi %mul3A_242, %add3A_243 : i32
        %mul3A_245 = arith.constant 32 : i32
        %mul3A_246 = arith.muli %mul3A_245, %add3A_244 : i32
        %add3A_247 = arith.addi %add3A, %mul3A_246 : i32
        %mul3A_248 = arith.constant 1280 : i32
        %mul3A_249 = arith.muli %add3A_247, %mul3A_248 : i32
        %dma_start3A_250 = arith.constant 0 : i32
        %dma_start3A_251 = tpu.memref_slice %arg3[%dma_start3A_250, %mul3A_249] : memref<2x6400000xi32, #tpu.memory_space<hbm>> -> memref<2x1280xi32, #tpu.memory_space<hbm>>
        %dma_start3A_252 = arith.constant 0 : i32
        %dma_start3A_253 = tpu.memref_slice %arg3[%dma_start3A_252, %mul3A_249] : memref<2x6400000xi32, #tpu.memory_space<hbm>> -> memref<2x1280xi32, #tpu.memory_space<hbm>>
        tpu.enqueue_dma source(%dma_start3A_253 : memref<2x1280xi32, #tpu.memory_space<hbm>>) target(%arg9 : memref<2x1280xi32, #tpu.memory_space<vmem>>) target_semaphore(%arg21 : memref<!tpu.dma_semaphore, #tpu.memory_space<semaphore_mem>>)
        %dma_start3A_254 = tpu.memref_slice %arg4[%mul3A_249] : memref<6400000xf32, #tpu.memory_space<hbm>> -> memref<1280xf32, #tpu.memory_space<hbm>>
        %dma_start3A_255 = tpu.memref_slice %arg4[%mul3A_249] : memref<6400000xf32, #tpu.memory_space<hbm>> -> memref<1280xf32, #tpu.memory_space<hbm>>
        tpu.enqueue_dma source(%dma_start3A_255 : memref<1280xf32, #tpu.memory_space<hbm>>) target(%arg15 : memref<1280xf32, #tpu.memory_space<vmem>>) target_semaphore(%arg21 : memref<!tpu.dma_semaphore, #tpu.memory_space<semaphore_mem>>)
      } else {
      }
      %dma_start3A_236 = arith.constant 0 : i32
      %dma_start3A_237 = tpu.memref_slice %arg25[%dma_start3A_236] : memref<102400xf32, #tpu.memory_space<vmem_shared>> -> memref<102400xf32, #tpu.memory_space<vmem_shared>>
      tpu.enqueue_indirect_dma source(%arg18 : memref<1280xf32, #tpu.memory_space<vmem>>) target(%dma_start3A_237 : memref<102400xf32, #tpu.memory_space<vmem_shared>>) offsets(%arg12 : memref<1280xi32, #tpu.memory_space<vmem>>) semaphore(%arg24 : memref<!tpu.dma_semaphore, #tpu.memory_space<semaphore_mem>>) {add = true}
      %scan3A_238 = arith.constant 0 : i32
      scf.yield %scan3A_238 : i32
    }
    %scan3A_93 = arith.constant 52 : i32
    %dma_wait3A = arith.constant 0 : i32
    %dma_wait3A_94 = tpu.memref_slice %arg25[%dma_wait3A] : memref<102400xf32, #tpu.memory_space<vmem_shared>> -> memref<102400xf32, #tpu.memory_space<vmem_shared>>
    tpu.wait_indirect_dma semaphore(%arg22 : memref<!tpu.dma_semaphore, #tpu.memory_space<semaphore_mem>>) src(%arg16 : memref<1280xf32, #tpu.memory_space<vmem>>) dst(%dma_wait3A_94 : memref<102400xf32, #tpu.memory_space<vmem_shared>>)
    %dma_wait3A_95 = arith.constant 0 : i32
    %dma_wait3A_96 = tpu.memref_slice %arg25[%dma_wait3A_95] : memref<102400xf32, #tpu.memory_space<vmem_shared>> -> memref<102400xf32, #tpu.memory_space<vmem_shared>>
    tpu.wait_indirect_dma semaphore(%arg23 : memref<!tpu.dma_semaphore, #tpu.memory_space<semaphore_mem>>) src(%arg17 : memref<1280xf32, #tpu.memory_space<vmem>>) dst(%dma_wait3A_96 : memref<102400xf32, #tpu.memory_space<vmem_shared>>)
    %dma_wait3A_97 = arith.constant 0 : i32
    %dma_wait3A_98 = tpu.memref_slice %arg25[%dma_wait3A_97] : memref<102400xf32, #tpu.memory_space<vmem_shared>> -> memref<102400xf32, #tpu.memory_space<vmem_shared>>
    tpu.wait_indirect_dma semaphore(%arg24 : memref<!tpu.dma_semaphore, #tpu.memory_space<semaphore_mem>>) src(%arg18 : memref<1280xf32, #tpu.memory_space<vmem>>) dst(%dma_wait3A_98 : memref<102400xf32, #tpu.memory_space<vmem_shared>>)
    %lt3A = arith.constant 8 : i32
    %lt3A_99 = arith.cmpi slt, %add3A, %lt3A : i32
    %convert_element_type3A = arith.extui %lt3A_99 : i1 to i32
    %cond3A = arith.constant 0 : i32
    %cond3A_100 = arith.cmpi ne, %convert_element_type3A, %cond3A : i32
    scf.if %cond3A_100 {
      %add3A_157 = arith.constant 4992 : i32
      %add3A_158 = arith.addi %add3A, %add3A_157 : i32
      %mul3A_159 = arith.constant 1280 : i32
      %mul3A_160 = arith.muli %add3A_158, %mul3A_159 : i32
      %dma_start3A_161 = arith.constant 0 : i32
      %dma_start3A_162 = tpu.memref_slice %arg3[%dma_start3A_161, %mul3A_160] : memref<2x6400000xi32, #tpu.memory_space<hbm>> -> memref<2x1280xi32, #tpu.memory_space<hbm>>
      %dma_start3A_163 = arith.constant 0 : i32
      %dma_start3A_164 = tpu.memref_slice %arg3[%dma_start3A_163, %mul3A_160] : memref<2x6400000xi32, #tpu.memory_space<hbm>> -> memref<2x1280xi32, #tpu.memory_space<hbm>>
      tpu.enqueue_dma source(%dma_start3A_164 : memref<2x1280xi32, #tpu.memory_space<hbm>>) target(%arg7 : memref<2x1280xi32, #tpu.memory_space<vmem>>) target_semaphore(%arg19 : memref<!tpu.dma_semaphore, #tpu.memory_space<semaphore_mem>>)
      %dma_start3A_165 = tpu.memref_slice %arg4[%mul3A_160] : memref<6400000xf32, #tpu.memory_space<hbm>> -> memref<1280xf32, #tpu.memory_space<hbm>>
      %dma_start3A_166 = tpu.memref_slice %arg4[%mul3A_160] : memref<6400000xf32, #tpu.memory_space<hbm>> -> memref<1280xf32, #tpu.memory_space<hbm>>
      tpu.enqueue_dma source(%dma_start3A_166 : memref<1280xf32, #tpu.memory_space<hbm>>) target(%arg13 : memref<1280xf32, #tpu.memory_space<vmem>>) target_semaphore(%arg19 : memref<!tpu.dma_semaphore, #tpu.memory_space<semaphore_mem>>)
      %dma_wait3A_167 = arith.constant 0 : i32
      %dma_wait3A_168 = tpu.memref_slice %arg3[%dma_wait3A_167, %mul3A_160] : memref<2x6400000xi32, #tpu.memory_space<hbm>> -> memref<2x1280xi32, #tpu.memory_space<hbm>>
      %dma_wait3A_169 = arith.constant 0 : i32
      %dma_wait3A_170 = tpu.memref_slice %arg3[%dma_wait3A_169, %mul3A_160] : memref<2x6400000xi32, #tpu.memory_space<hbm>> -> memref<2x1280xi32, #tpu.memory_space<hbm>>
      tpu.wait_dma2 semaphore(%arg19 : memref<!tpu.dma_semaphore, #tpu.memory_space<semaphore_mem>>) src(%dma_wait3A_170 : memref<2x1280xi32, #tpu.memory_space<hbm>>) dst(%arg7 : memref<2x1280xi32, #tpu.memory_space<vmem>>)
      %dma_wait3A_171 = tpu.memref_slice %arg4[%mul3A_160] : memref<6400000xf32, #tpu.memory_space<hbm>> -> memref<1280xf32, #tpu.memory_space<hbm>>
      %dma_wait3A_172 = tpu.memref_slice %arg4[%mul3A_160] : memref<6400000xf32, #tpu.memory_space<hbm>> -> memref<1280xf32, #tpu.memory_space<hbm>>
      tpu.wait_dma2 semaphore(%arg19 : memref<!tpu.dma_semaphore, #tpu.memory_space<semaphore_mem>>) src(%dma_wait3A_172 : memref<1280xf32, #tpu.memory_space<hbm>>) dst(%arg13 : memref<1280xf32, #tpu.memory_space<vmem>>)
      %parallel_loop3A = arith.constant 0 : i32
      %parallel_loop3A_173 = arith.constant 1280 : i32
      %parallel_loop3A_174 = arith.constant 16 : i32
      scf.for %parallel_loop3A_179 = %parallel_loop3A to %parallel_loop3A_173 step %parallel_loop3A_174  : i32 {
        %parallel_loop3A_180 = arith.constant 0 : i32
        %parallel_loop3A_181 = arith.index_cast %parallel_loop3A_180 : i32 to index
        %parallel_loop3A_182 = arith.index_cast %parallel_loop3A_179 : i32 to index
        %parallel_loop3A_183 = tpu.vector_load %arg7[%parallel_loop3A_181, %parallel_loop3A_182] {strides = array<i32>} : memref<2x1280xi32, #tpu.memory_space<vmem>>, vector<16xi32>,
        %parallel_loop3A_184 = tpu.vector_load_idx %arg6[%parallel_loop3A_183] : memref<100000xf32, #tpu.memory_space<vmem>>[vector<16xi32>], vector<16xf32>,
        %parallel_loop3A_185 = arith.index_cast %parallel_loop3A_179 : i32 to index
        %parallel_loop3A_186 = tpu.vector_load %arg13[%parallel_loop3A_185] {strides = array<i32>} : memref<1280xf32, #tpu.memory_space<vmem>>, vector<16xf32>,
        %parallel_loop3A_187 = arith.mulf %parallel_loop3A_186, %parallel_loop3A_184 : vector<16xf32>
        %parallel_loop3A_188 = arith.index_cast %parallel_loop3A_179 : i32 to index
        %parallel_loop3A_189 = tpu.vector_load %arg16[%parallel_loop3A_188] {strides = array<i32>} : memref<1280xf32, #tpu.memory_space<vmem>>, vector<16xf32>,
        tpu.vector_store %arg16[%parallel_loop3A_188], %parallel_loop3A_187 {strides = array<i32>} : memref<1280xf32, #tpu.memory_space<vmem>>, vector<16xf32>,
        %parallel_loop3A_190 = arith.constant 1 : i32
        %parallel_loop3A_191 = arith.index_cast %parallel_loop3A_190 : i32 to index
        %parallel_loop3A_192 = arith.index_cast %parallel_loop3A_179 : i32 to index
        %parallel_loop3A_193 = tpu.vector_load %arg7[%parallel_loop3A_191, %parallel_loop3A_192] {strides = array<i32>} : memref<2x1280xi32, #tpu.memory_space<vmem>>, vector<16xi32>,
        %parallel_loop3A_194 = arith.index_cast %parallel_loop3A_179 : i32 to index
        %parallel_loop3A_195 = tpu.vector_load %arg10[%parallel_loop3A_194] {strides = array<i32>} : memref<1280xi32, #tpu.memory_space<vmem>>, vector<16xi32>,
        tpu.vector_store %arg10[%parallel_loop3A_194], %parallel_loop3A_193 {strides = array<i32>} : memref<1280xi32, #tpu.memory_space<vmem>>, vector<16xi32>,
      } {sc.loop_unroll_factor = 8 : i64, sc.parallel_access}
      %dma_start3A_175 = arith.constant 0 : i32
      %dma_start3A_176 = tpu.memref_slice %arg25[%dma_start3A_175] : memref<102400xf32, #tpu.memory_space<vmem_shared>> -> memref<102400xf32, #tpu.memory_space<vmem_shared>>
      tpu.enqueue_indirect_dma source(%arg16 : memref<1280xf32, #tpu.memory_space<vmem>>) target(%dma_start3A_176 : memref<102400xf32, #tpu.memory_space<vmem_shared>>) offsets(%arg10 : memref<1280xi32, #tpu.memory_space<vmem>>) semaphore(%arg22 : memref<!tpu.dma_semaphore, #tpu.memory_space<semaphore_mem>>) {add = true}
      %dma_wait3A_177 = arith.constant 0 : i32
      %dma_wait3A_178 = tpu.memref_slice %arg25[%dma_wait3A_177] : memref<102400xf32, #tpu.memory_space<vmem_shared>> -> memref<102400xf32, #tpu.memory_space<vmem_shared>>
      tpu.wait_indirect_dma semaphore(%arg22 : memref<!tpu.dma_semaphore, #tpu.memory_space<semaphore_mem>>) src(%arg16 : memref<1280xf32, #tpu.memory_space<vmem>>) dst(%dma_wait3A_178 : memref<102400xf32, #tpu.memory_space<vmem_shared>>)
    } else {
    }
    %barrier3A_101 = arith.constant 0 : index
    tpu.barrier barrier_id(%barrier3A_101)
    %mul3A_102 = arith.constant 6400 : i32
    %mul3A_103 = arith.muli %arg1, %mul3A_102 : i32
    %add3A_104 = arith.constant 0 : i32
    %add3A_105 = arith.addi %mul3A_103, %add3A_104 : i32
    "tpu.region"() ({
      %run_scoped3A = tpu.sem_alloc : memref<!tpu.dma_semaphore, #tpu.memory_space<semaphore_mem>>
      %dma_start3A_157 = arith.constant 0 : i32
      %dma_start3A_158 = tpu.memref_slice %arg16[%dma_start3A_157] : memref<1280xf32, #tpu.memory_space<vmem>> -> memref<1280xf32, #tpu.memory_space<vmem>>
      %dma_start3A_159 = tpu.memref_slice %arg25[%add3A_105] : memref<102400xf32, #tpu.memory_space<vmem_shared>> -> memref<1280xf32, #tpu.memory_space<vmem_shared>>
      %dma_start3A_160 = arith.constant 0 : i32
      %dma_start3A_161 = tpu.memref_slice %arg16[%dma_start3A_160] : memref<1280xf32, #tpu.memory_space<vmem>> -> memref<1280xf32, #tpu.memory_space<vmem>>
      %dma_start3A_162 = tpu.memref_slice %arg25[%add3A_105] : memref<102400xf32, #tpu.memory_space<vmem_shared>> -> memref<1280xf32, #tpu.memory_space<vmem_shared>>
      tpu.enqueue_dma source(%dma_start3A_162 : memref<1280xf32, #tpu.memory_space<vmem_shared>>) target(%dma_start3A_161 : memref<1280xf32, #tpu.memory_space<vmem>>) target_semaphore(%run_scoped3A : memref<!tpu.dma_semaphore, #tpu.memory_space<semaphore_mem>>)
      %dma_wait3A_163 = arith.constant 0 : i32
      %dma_wait3A_164 = tpu.memref_slice %arg16[%dma_wait3A_163] : memref<1280xf32, #tpu.memory_space<vmem>> -> memref<1280xf32, #tpu.memory_space<vmem>>
      %dma_wait3A_165 = tpu.memref_slice %arg25[%add3A_105] : memref<102400xf32, #tpu.memory_space<vmem_shared>> -> memref<1280xf32, #tpu.memory_space<vmem_shared>>
      %dma_wait3A_166 = arith.constant 0 : i32
      %dma_wait3A_167 = tpu.memref_slice %arg16[%dma_wait3A_166] : memref<1280xf32, #tpu.memory_space<vmem>> -> memref<1280xf32, #tpu.memory_space<vmem>>
      %dma_wait3A_168 = tpu.memref_slice %arg25[%add3A_105] : memref<102400xf32, #tpu.memory_space<vmem_shared>> -> memref<1280xf32, #tpu.memory_space<vmem_shared>>
      tpu.wait_dma2 semaphore(%run_scoped3A : memref<!tpu.dma_semaphore, #tpu.memory_space<semaphore_mem>>) src(%dma_wait3A_168 : memref<1280xf32, #tpu.memory_space<vmem_shared>>) dst(%dma_wait3A_167 : memref<1280xf32, #tpu.memory_space<vmem>>)
      tpu.yield
    }) : () -> ()
    %mul3A_106 = arith.constant 102400 : i32
    %mul3A_107 = arith.muli %arg0, %mul3A_106 : i32
    %mul3A_108 = arith.constant 6400 : i32
    %mul3A_109 = arith.muli %arg1, %mul3A_108 : i32
    %add3A_110 = arith.addi %mul3A_107, %mul3A_109 : i32
    %add3A_111 = arith.constant 0 : i32
    %add3A_112 = arith.addi %add3A_110, %add3A_111 : i32
    "tpu.region"() ({
      %run_scoped3A = tpu.sem_alloc : memref<!tpu.dma_semaphore, #tpu.memory_space<semaphore_mem>>
      %dma_start3A_157 = arith.constant 0 : i32
      %dma_start3A_158 = tpu.memref_slice %arg16[%dma_start3A_157] : memref<1280xf32, #tpu.memory_space<vmem>> -> memref<1280xf32, #tpu.memory_space<vmem>>
      %dma_start3A_159 = tpu.memref_slice %arg5[%add3A_112] : memref<204800xf32, #tpu.memory_space<hbm>> -> memref<1280xf32, #tpu.memory_space<hbm>>
      %dma_start3A_160 = tpu.memref_slice %arg5[%add3A_112] : memref<204800xf32, #tpu.memory_space<hbm>> -> memref<1280xf32, #tpu.memory_space<hbm>>
      %dma_start3A_161 = arith.constant 0 : i32
      %dma_start3A_162 = tpu.memref_slice %arg16[%dma_start3A_161] : memref<1280xf32, #tpu.memory_space<vmem>> -> memref<1280xf32, #tpu.memory_space<vmem>>
      tpu.enqueue_dma source(%dma_start3A_162 : memref<1280xf32, #tpu.memory_space<vmem>>) target(%dma_start3A_160 : memref<1280xf32, #tpu.memory_space<hbm>>) target_semaphore(%run_scoped3A : memref<!tpu.dma_semaphore, #tpu.memory_space<semaphore_mem>>)
      %dma_wait3A_163 = arith.constant 0 : i32
      %dma_wait3A_164 = tpu.memref_slice %arg16[%dma_wait3A_163] : memref<1280xf32, #tpu.memory_space<vmem>> -> memref<1280xf32, #tpu.memory_space<vmem>>
      %dma_wait3A_165 = tpu.memref_slice %arg5[%add3A_112] : memref<204800xf32, #tpu.memory_space<hbm>> -> memref<1280xf32, #tpu.memory_space<hbm>>
      %dma_wait3A_166 = tpu.memref_slice %arg5[%add3A_112] : memref<204800xf32, #tpu.memory_space<hbm>> -> memref<1280xf32, #tpu.memory_space<hbm>>
      %dma_wait3A_167 = arith.constant 0 : i32
      %dma_wait3A_168 = tpu.memref_slice %arg16[%dma_wait3A_167] : memref<1280xf32, #tpu.memory_space<vmem>> -> memref<1280xf32, #tpu.memory_space<vmem>>
      tpu.wait_dma2 semaphore(%run_scoped3A : memref<!tpu.dma_semaphore, #tpu.memory_space<semaphore_mem>>) src(%dma_wait3A_168 : memref<1280xf32, #tpu.memory_space<vmem>>) dst(%dma_wait3A_166 : memref<1280xf32, #tpu.memory_space<hbm>>)
      tpu.yield
    }) : () -> ()
    %mul3A_113 = arith.constant 6400 : i32
    %mul3A_114 = arith.muli %arg1, %mul3A_113 : i32
    %add3A_115 = arith.constant 1280 : i32
    %add3A_116 = arith.addi %mul3A_114, %add3A_115 : i32
    "tpu.region"() ({
      %run_scoped3A = tpu.sem_alloc : memref<!tpu.dma_semaphore, #tpu.memory_space<semaphore_mem>>
      %dma_start3A_157 = arith.constant 0 : i32
      %dma_start3A_158 = tpu.memref_slice %arg16[%dma_start3A_157] : memref<1280xf32, #tpu.memory_space<vmem>> -> memref<1280xf32, #tpu.memory_space<vmem>>
      %dma_start3A_159 = tpu.memref_slice %arg25[%add3A_116] : memref<102400xf32, #tpu.memory_space<vmem_shared>> -> memref<1280xf32, #tpu.memory_space<vmem_shared>>
      %dma_start3A_160 = arith.constant 0 : i32
      %dma_start3A_161 = tpu.memref_slice %arg16[%dma_start3A_160] : memref<1280xf32, #tpu.memory_space<vmem>> -> memref<1280xf32, #tpu.memory_space<vmem>>
      %dma_start3A_162 = tpu.memref_slice %arg25[%add3A_116] : memref<102400xf32, #tpu.memory_space<vmem_shared>> -> memref<1280xf32, #tpu.memory_space<vmem_shared>>
      tpu.enqueue_dma source(%dma_start3A_162 : memref<1280xf32, #tpu.memory_space<vmem_shared>>) target(%dma_start3A_161 : memref<1280xf32, #tpu.memory_space<vmem>>) target_semaphore(%run_scoped3A : memref<!tpu.dma_semaphore, #tpu.memory_space<semaphore_mem>>)
      %dma_wait3A_163 = arith.constant 0 : i32
      %dma_wait3A_164 = tpu.memref_slice %arg16[%dma_wait3A_163] : memref<1280xf32, #tpu.memory_space<vmem>> -> memref<1280xf32, #tpu.memory_space<vmem>>
      %dma_wait3A_165 = tpu.memref_slice %arg25[%add3A_116] : memref<102400xf32, #tpu.memory_space<vmem_shared>> -> memref<1280xf32, #tpu.memory_space<vmem_shared>>
      %dma_wait3A_166 = arith.constant 0 : i32
      %dma_wait3A_167 = tpu.memref_slice %arg16[%dma_wait3A_166] : memref<1280xf32, #tpu.memory_space<vmem>> -> memref<1280xf32, #tpu.memory_space<vmem>>
      %dma_wait3A_168 = tpu.memref_slice %arg25[%add3A_116] : memref<102400xf32, #tpu.memory_space<vmem_shared>> -> memref<1280xf32, #tpu.memory_space<vmem_shared>>
      tpu.wait_dma2 semaphore(%run_scoped3A : memref<!tpu.dma_semaphore, #tpu.memory_space<semaphore_mem>>) src(%dma_wait3A_168 : memref<1280xf32, #tpu.memory_space<vmem_shared>>) dst(%dma_wait3A_167 : memref<1280xf32, #tpu.memory_space<vmem>>)
      tpu.yield
    }) : () -> ()
    %mul3A_117 = arith.constant 102400 : i32
    %mul3A_118 = arith.muli %arg0, %mul3A_117 : i32
    %mul3A_119 = arith.constant 6400 : i32
    %mul3A_120 = arith.muli %arg1, %mul3A_119 : i32
    %add3A_121 = arith.addi %mul3A_118, %mul3A_120 : i32
    %add3A_122 = arith.constant 1280 : i32
    %add3A_123 = arith.addi %add3A_121, %add3A_122 : i32
    "tpu.region"() ({
      %run_scoped3A = tpu.sem_alloc : memref<!tpu.dma_semaphore, #tpu.memory_space<semaphore_mem>>
      %dma_start3A_157 = arith.constant 0 : i32
      %dma_start3A_158 = tpu.memref_slice %arg16[%dma_start3A_157] : memref<1280xf32, #tpu.memory_space<vmem>> -> memref<1280xf32, #tpu.memory_space<vmem>>
      %dma_start3A_159 = tpu.memref_slice %arg5[%add3A_123] : memref<204800xf32, #tpu.memory_space<hbm>> -> memref<1280xf32, #tpu.memory_space<hbm>>
      %dma_start3A_160 = tpu.memref_slice %arg5[%add3A_123] : memref<204800xf32, #tpu.memory_space<hbm>> -> memref<1280xf32, #tpu.memory_space<hbm>>
      %dma_start3A_161 = arith.constant 0 : i32
      %dma_start3A_162 = tpu.memref_slice %arg16[%dma_start3A_161] : memref<1280xf32, #tpu.memory_space<vmem>> -> memref<1280xf32, #tpu.memory_space<vmem>>
      tpu.enqueue_dma source(%dma_start3A_162 : memref<1280xf32, #tpu.memory_space<vmem>>) target(%dma_start3A_160 : memref<1280xf32, #tpu.memory_space<hbm>>) target_semaphore(%run_scoped3A : memref<!tpu.dma_semaphore, #tpu.memory_space<semaphore_mem>>)
      %dma_wait3A_163 = arith.constant 0 : i32
      %dma_wait3A_164 = tpu.memref_slice %arg16[%dma_wait3A_163] : memref<1280xf32, #tpu.memory_space<vmem>> -> memref<1280xf32, #tpu.memory_space<vmem>>
      %dma_wait3A_165 = tpu.memref_slice %arg5[%add3A_123] : memref<204800xf32, #tpu.memory_space<hbm>> -> memref<1280xf32, #tpu.memory_space<hbm>>
      %dma_wait3A_166 = tpu.memref_slice %arg5[%add3A_123] : memref<204800xf32, #tpu.memory_space<hbm>> -> memref<1280xf32, #tpu.memory_space<hbm>>
      %dma_wait3A_167 = arith.constant 0 : i32
      %dma_wait3A_168 = tpu.memref_slice %arg16[%dma_wait3A_167] : memref<1280xf32, #tpu.memory_space<vmem>> -> memref<1280xf32, #tpu.memory_space<vmem>>
      tpu.wait_dma2 semaphore(%run_scoped3A : memref<!tpu.dma_semaphore, #tpu.memory_space<semaphore_mem>>) src(%dma_wait3A_168 : memref<1280xf32, #tpu.memory_space<vmem>>) dst(%dma_wait3A_166 : memref<1280xf32, #tpu.memory_space<hbm>>)
      tpu.yield
    }) : () -> ()
    %mul3A_124 = arith.constant 6400 : i32
    %mul3A_125 = arith.muli %arg1, %mul3A_124 : i32
    %add3A_126 = arith.constant 2560 : i32
    %add3A_127 = arith.addi %mul3A_125, %add3A_126 : i32
    "tpu.region"() ({
      %run_scoped3A = tpu.sem_alloc : memref<!tpu.dma_semaphore, #tpu.memory_space<semaphore_mem>>
      %dma_start3A_157 = arith.constant 0 : i32
      %dma_start3A_158 = tpu.memref_slice %arg16[%dma_start3A_157] : memref<1280xf32, #tpu.memory_space<vmem>> -> memref<1280xf32, #tpu.memory_space<vmem>>
      %dma_start3A_159 = tpu.memref_slice %arg25[%add3A_127] : memref<102400xf32, #tpu.memory_space<vmem_shared>> -> memref<1280xf32, #tpu.memory_space<vmem_shared>>
      %dma_start3A_160 = arith.constant 0 : i32
      %dma_start3A_161 = tpu.memref_slice %arg16[%dma_start3A_160] : memref<1280xf32, #tpu.memory_space<vmem>> -> memref<1280xf32, #tpu.memory_space<vmem>>
      %dma_start3A_162 = tpu.memref_slice %arg25[%add3A_127] : memref<102400xf32, #tpu.memory_space<vmem_shared>> -> memref<1280xf32, #tpu.memory_space<vmem_shared>>
      tpu.enqueue_dma source(%dma_start3A_162 : memref<1280xf32, #tpu.memory_space<vmem_shared>>) target(%dma_start3A_161 : memref<1280xf32, #tpu.memory_space<vmem>>) target_semaphore(%run_scoped3A : memref<!tpu.dma_semaphore, #tpu.memory_space<semaphore_mem>>)
      %dma_wait3A_163 = arith.constant 0 : i32
      %dma_wait3A_164 = tpu.memref_slice %arg16[%dma_wait3A_163] : memref<1280xf32, #tpu.memory_space<vmem>> -> memref<1280xf32, #tpu.memory_space<vmem>>
      %dma_wait3A_165 = tpu.memref_slice %arg25[%add3A_127] : memref<102400xf32, #tpu.memory_space<vmem_shared>> -> memref<1280xf32, #tpu.memory_space<vmem_shared>>
      %dma_wait3A_166 = arith.constant 0 : i32
      %dma_wait3A_167 = tpu.memref_slice %arg16[%dma_wait3A_166] : memref<1280xf32, #tpu.memory_space<vmem>> -> memref<1280xf32, #tpu.memory_space<vmem>>
      %dma_wait3A_168 = tpu.memref_slice %arg25[%add3A_127] : memref<102400xf32, #tpu.memory_space<vmem_shared>> -> memref<1280xf32, #tpu.memory_space<vmem_shared>>
      tpu.wait_dma2 semaphore(%run_scoped3A : memref<!tpu.dma_semaphore, #tpu.memory_space<semaphore_mem>>) src(%dma_wait3A_168 : memref<1280xf32, #tpu.memory_space<vmem_shared>>) dst(%dma_wait3A_167 : memref<1280xf32, #tpu.memory_space<vmem>>)
      tpu.yield
    }) : () -> ()
    %mul3A_128 = arith.constant 102400 : i32
    %mul3A_129 = arith.muli %arg0, %mul3A_128 : i32
    %mul3A_130 = arith.constant 6400 : i32
    %mul3A_131 = arith.muli %arg1, %mul3A_130 : i32
    %add3A_132 = arith.addi %mul3A_129, %mul3A_131 : i32
    %add3A_133 = arith.constant 2560 : i32
    %add3A_134 = arith.addi %add3A_132, %add3A_133 : i32
    "tpu.region"() ({
      %run_scoped3A = tpu.sem_alloc : memref<!tpu.dma_semaphore, #tpu.memory_space<semaphore_mem>>
      %dma_start3A_157 = arith.constant 0 : i32
      %dma_start3A_158 = tpu.memref_slice %arg16[%dma_start3A_157] : memref<1280xf32, #tpu.memory_space<vmem>> -> memref<1280xf32, #tpu.memory_space<vmem>>
      %dma_start3A_159 = tpu.memref_slice %arg5[%add3A_134] : memref<204800xf32, #tpu.memory_space<hbm>> -> memref<1280xf32, #tpu.memory_space<hbm>>
      %dma_start3A_160 = tpu.memref_slice %arg5[%add3A_134] : memref<204800xf32, #tpu.memory_space<hbm>> -> memref<1280xf32, #tpu.memory_space<hbm>>
      %dma_start3A_161 = arith.constant 0 : i32
      %dma_start3A_162 = tpu.memref_slice %arg16[%dma_start3A_161] : memref<1280xf32, #tpu.memory_space<vmem>> -> memref<1280xf32, #tpu.memory_space<vmem>>
      tpu.enqueue_dma source(%dma_start3A_162 : memref<1280xf32, #tpu.memory_space<vmem>>) target(%dma_start3A_160 : memref<1280xf32, #tpu.memory_space<hbm>>) target_semaphore(%run_scoped3A : memref<!tpu.dma_semaphore, #tpu.memory_space<semaphore_mem>>)
      %dma_wait3A_163 = arith.constant 0 : i32
      %dma_wait3A_164 = tpu.memref_slice %arg16[%dma_wait3A_163] : memref<1280xf32, #tpu.memory_space<vmem>> -> memref<1280xf32, #tpu.memory_space<vmem>>
      %dma_wait3A_165 = tpu.memref_slice %arg5[%add3A_134] : memref<204800xf32, #tpu.memory_space<hbm>> -> memref<1280xf32, #tpu.memory_space<hbm>>
      %dma_wait3A_166 = tpu.memref_slice %arg5[%add3A_134] : memref<204800xf32, #tpu.memory_space<hbm>> -> memref<1280xf32, #tpu.memory_space<hbm>>
      %dma_wait3A_167 = arith.constant 0 : i32
      %dma_wait3A_168 = tpu.memref_slice %arg16[%dma_wait3A_167] : memref<1280xf32, #tpu.memory_space<vmem>> -> memref<1280xf32, #tpu.memory_space<vmem>>
      tpu.wait_dma2 semaphore(%run_scoped3A : memref<!tpu.dma_semaphore, #tpu.memory_space<semaphore_mem>>) src(%dma_wait3A_168 : memref<1280xf32, #tpu.memory_space<vmem>>) dst(%dma_wait3A_166 : memref<1280xf32, #tpu.memory_space<hbm>>)
      tpu.yield
    }) : () -> ()
    %mul3A_135 = arith.constant 6400 : i32
    %mul3A_136 = arith.muli %arg1, %mul3A_135 : i32
    %add3A_137 = arith.constant 3840 : i32
    %add3A_138 = arith.addi %mul3A_136, %add3A_137 : i32
    "tpu.region"() ({
      %run_scoped3A = tpu.sem_alloc : memref<!tpu.dma_semaphore, #tpu.memory_space<semaphore_mem>>
      %dma_start3A_157 = arith.constant 0 : i32
      %dma_start3A_158 = tpu.memref_slice %arg16[%dma_start3A_157] : memref<1280xf32, #tpu.memory_space<vmem>> -> memref<1280xf32, #tpu.memory_space<vmem>>
      %dma_start3A_159 = tpu.memref_slice %arg25[%add3A_138] : memref<102400xf32, #tpu.memory_space<vmem_shared>> -> memref<1280xf32, #tpu.memory_space<vmem_shared>>
      %dma_start3A_160 = arith.constant 0 : i32
      %dma_start3A_161 = tpu.memref_slice %arg16[%dma_start3A_160] : memref<1280xf32, #tpu.memory_space<vmem>> -> memref<1280xf32, #tpu.memory_space<vmem>>
      %dma_start3A_162 = tpu.memref_slice %arg25[%add3A_138] : memref<102400xf32, #tpu.memory_space<vmem_shared>> -> memref<1280xf32, #tpu.memory_space<vmem_shared>>
      tpu.enqueue_dma source(%dma_start3A_162 : memref<1280xf32, #tpu.memory_space<vmem_shared>>) target(%dma_start3A_161 : memref<1280xf32, #tpu.memory_space<vmem>>) target_semaphore(%run_scoped3A : memref<!tpu.dma_semaphore, #tpu.memory_space<semaphore_mem>>)
      %dma_wait3A_163 = arith.constant 0 : i32
      %dma_wait3A_164 = tpu.memref_slice %arg16[%dma_wait3A_163] : memref<1280xf32, #tpu.memory_space<vmem>> -> memref<1280xf32, #tpu.memory_space<vmem>>
      %dma_wait3A_165 = tpu.memref_slice %arg25[%add3A_138] : memref<102400xf32, #tpu.memory_space<vmem_shared>> -> memref<1280xf32, #tpu.memory_space<vmem_shared>>
      %dma_wait3A_166 = arith.constant 0 : i32
      %dma_wait3A_167 = tpu.memref_slice %arg16[%dma_wait3A_166] : memref<1280xf32, #tpu.memory_space<vmem>> -> memref<1280xf32, #tpu.memory_space<vmem>>
      %dma_wait3A_168 = tpu.memref_slice %arg25[%add3A_138] : memref<102400xf32, #tpu.memory_space<vmem_shared>> -> memref<1280xf32, #tpu.memory_space<vmem_shared>>
      tpu.wait_dma2 semaphore(%run_scoped3A : memref<!tpu.dma_semaphore, #tpu.memory_space<semaphore_mem>>) src(%dma_wait3A_168 : memref<1280xf32, #tpu.memory_space<vmem_shared>>) dst(%dma_wait3A_167 : memref<1280xf32, #tpu.memory_space<vmem>>)
      tpu.yield
    }) : () -> ()
    %mul3A_139 = arith.constant 102400 : i32
    %mul3A_140 = arith.muli %arg0, %mul3A_139 : i32
    %mul3A_141 = arith.constant 6400 : i32
    %mul3A_142 = arith.muli %arg1, %mul3A_141 : i32
    %add3A_143 = arith.addi %mul3A_140, %mul3A_142 : i32
    %add3A_144 = arith.constant 3840 : i32
    %add3A_145 = arith.addi %add3A_143, %add3A_144 : i32
    "tpu.region"() ({
      %run_scoped3A = tpu.sem_alloc : memref<!tpu.dma_semaphore, #tpu.memory_space<semaphore_mem>>
      %dma_start3A_157 = arith.constant 0 : i32
      %dma_start3A_158 = tpu.memref_slice %arg16[%dma_start3A_157] : memref<1280xf32, #tpu.memory_space<vmem>> -> memref<1280xf32, #tpu.memory_space<vmem>>
      %dma_start3A_159 = tpu.memref_slice %arg5[%add3A_145] : memref<204800xf32, #tpu.memory_space<hbm>> -> memref<1280xf32, #tpu.memory_space<hbm>>
      %dma_start3A_160 = tpu.memref_slice %arg5[%add3A_145] : memref<204800xf32, #tpu.memory_space<hbm>> -> memref<1280xf32, #tpu.memory_space<hbm>>
      %dma_start3A_161 = arith.constant 0 : i32
      %dma_start3A_162 = tpu.memref_slice %arg16[%dma_start3A_161] : memref<1280xf32, #tpu.memory_space<vmem>> -> memref<1280xf32, #tpu.memory_space<vmem>>
      tpu.enqueue_dma source(%dma_start3A_162 : memref<1280xf32, #tpu.memory_space<vmem>>) target(%dma_start3A_160 : memref<1280xf32, #tpu.memory_space<hbm>>) target_semaphore(%run_scoped3A : memref<!tpu.dma_semaphore, #tpu.memory_space<semaphore_mem>>)
      %dma_wait3A_163 = arith.constant 0 : i32
      %dma_wait3A_164 = tpu.memref_slice %arg16[%dma_wait3A_163] : memref<1280xf32, #tpu.memory_space<vmem>> -> memref<1280xf32, #tpu.memory_space<vmem>>
      %dma_wait3A_165 = tpu.memref_slice %arg5[%add3A_145] : memref<204800xf32, #tpu.memory_space<hbm>> -> memref<1280xf32, #tpu.memory_space<hbm>>
      %dma_wait3A_166 = tpu.memref_slice %arg5[%add3A_145] : memref<204800xf32, #tpu.memory_space<hbm>> -> memref<1280xf32, #tpu.memory_space<hbm>>
      %dma_wait3A_167 = arith.constant 0 : i32
      %dma_wait3A_168 = tpu.memref_slice %arg16[%dma_wait3A_167] : memref<1280xf32, #tpu.memory_space<vmem>> -> memref<1280xf32, #tpu.memory_space<vmem>>
      tpu.wait_dma2 semaphore(%run_scoped3A : memref<!tpu.dma_semaphore, #tpu.memory_space<semaphore_mem>>) src(%dma_wait3A_168 : memref<1280xf32, #tpu.memory_space<vmem>>) dst(%dma_wait3A_166 : memref<1280xf32, #tpu.memory_space<hbm>>)
      tpu.yield
    }) : () -> ()
    %mul3A_146 = arith.constant 6400 : i32
    %mul3A_147 = arith.muli %arg1, %mul3A_146 : i32
    %add3A_148 = arith.constant 5120 : i32
    %add3A_149 = arith.addi %mul3A_147, %add3A_148 : i32
    "tpu.region"() ({
      %run_scoped3A = tpu.sem_alloc : memref<!tpu.dma_semaphore, #tpu.memory_space<semaphore_mem>>
      %dma_start3A_157 = arith.constant 0 : i32
      %dma_start3A_158 = tpu.memref_slice %arg16[%dma_start3A_157] : memref<1280xf32, #tpu.memory_space<vmem>> -> memref<1280xf32, #tpu.memory_space<vmem>>
      %dma_start3A_159 = tpu.memref_slice %arg25[%add3A_149] : memref<102400xf32, #tpu.memory_space<vmem_shared>> -> memref<1280xf32, #tpu.memory_space<vmem_shared>>
      %dma_start3A_160 = arith.constant 0 : i32
      %dma_start3A_161 = tpu.memref_slice %arg16[%dma_start3A_160] : memref<1280xf32, #tpu.memory_space<vmem>> -> memref<1280xf32, #tpu.memory_space<vmem>>
      %dma_start3A_162 = tpu.memref_slice %arg25[%add3A_149] : memref<102400xf32, #tpu.memory_space<vmem_shared>> -> memref<1280xf32, #tpu.memory_space<vmem_shared>>
      tpu.enqueue_dma source(%dma_start3A_162 : memref<1280xf32, #tpu.memory_space<vmem_shared>>) target(%dma_start3A_161 : memref<1280xf32, #tpu.memory_space<vmem>>) target_semaphore(%run_scoped3A : memref<!tpu.dma_semaphore, #tpu.memory_space<semaphore_mem>>)
      %dma_wait3A_163 = arith.constant 0 : i32
      %dma_wait3A_164 = tpu.memref_slice %arg16[%dma_wait3A_163] : memref<1280xf32, #tpu.memory_space<vmem>> -> memref<1280xf32, #tpu.memory_space<vmem>>
      %dma_wait3A_165 = tpu.memref_slice %arg25[%add3A_149] : memref<102400xf32, #tpu.memory_space<vmem_shared>> -> memref<1280xf32, #tpu.memory_space<vmem_shared>>
      %dma_wait3A_166 = arith.constant 0 : i32
      %dma_wait3A_167 = tpu.memref_slice %arg16[%dma_wait3A_166] : memref<1280xf32, #tpu.memory_space<vmem>> -> memref<1280xf32, #tpu.memory_space<vmem>>
      %dma_wait3A_168 = tpu.memref_slice %arg25[%add3A_149] : memref<102400xf32, #tpu.memory_space<vmem_shared>> -> memref<1280xf32, #tpu.memory_space<vmem_shared>>
      tpu.wait_dma2 semaphore(%run_scoped3A : memref<!tpu.dma_semaphore, #tpu.memory_space<semaphore_mem>>) src(%dma_wait3A_168 : memref<1280xf32, #tpu.memory_space<vmem_shared>>) dst(%dma_wait3A_167 : memref<1280xf32, #tpu.memory_space<vmem>>)
      tpu.yield
    }) : () -> ()
    %mul3A_150 = arith.constant 102400 : i32
    %mul3A_151 = arith.muli %arg0, %mul3A_150 : i32
    %mul3A_152 = arith.constant 6400 : i32
    %mul3A_153 = arith.muli %arg1, %mul3A_152 : i32
    %add3A_154 = arith.addi %mul3A_151, %mul3A_153 : i32
    %add3A_155 = arith.constant 5120 : i32
    %add3A_156 = arith.addi %add3A_154, %add3A_155 : i32
    "tpu.region"() ({
      %run_scoped3A = tpu.sem_alloc : memref<!tpu.dma_semaphore, #tpu.memory_space<semaphore_mem>>
      %dma_start3A_157 = arith.constant 0 : i32
      %dma_start3A_158 = tpu.memref_slice %arg16[%dma_start3A_157] : memref<1280xf32, #tpu.memory_space<vmem>> -> memref<1280xf32, #tpu.memory_space<vmem>>
      %dma_start3A_159 = tpu.memref_slice %arg5[%add3A_156] : memref<204800xf32, #tpu.memory_space<hbm>> -> memref<1280xf32, #tpu.memory_space<hbm>>
      %dma_start3A_160 = tpu.memref_slice %arg5[%add3A_156] : memref<204800xf32, #tpu.memory_space<hbm>> -> memref<1280xf32, #tpu.memory_space<hbm>>
      %dma_start3A_161 = arith.constant 0 : i32
      %dma_start3A_162 = tpu.memref_slice %arg16[%dma_start3A_161] : memref<1280xf32, #tpu.memory_space<vmem>> -> memref<1280xf32, #tpu.memory_space<vmem>>
      tpu.enqueue_dma source(%dma_start3A_162 : memref<1280xf32, #tpu.memory_space<vmem>>) target(%dma_start3A_160 : memref<1280xf32, #tpu.memory_space<hbm>>) target_semaphore(%run_scoped3A : memref<!tpu.dma_semaphore, #tpu.memory_space<semaphore_mem>>)
      %dma_wait3A_163 = arith.constant 0 : i32
      %dma_wait3A_164 = tpu.memref_slice %arg16[%dma_wait3A_163] : memref<1280xf32, #tpu.memory_space<vmem>> -> memref<1280xf32, #tpu.memory_space<vmem>>
      %dma_wait3A_165 = tpu.memref_slice %arg5[%add3A_156] : memref<204800xf32, #tpu.memory_space<hbm>> -> memref<1280xf32, #tpu.memory_space<hbm>>
      %dma_wait3A_166 = tpu.memref_slice %arg5[%add3A_156] : memref<204800xf32, #tpu.memory_space<hbm>> -> memref<1280xf32, #tpu.memory_space<hbm>>
      %dma_wait3A_167 = arith.constant 0 : i32
      %dma_wait3A_168 = tpu.memref_slice %arg16[%dma_wait3A_167] : memref<1280xf32, #tpu.memory_space<vmem>> -> memref<1280xf32, #tpu.memory_space<vmem>>
      tpu.wait_dma2 semaphore(%run_scoped3A : memref<!tpu.dma_semaphore, #tpu.memory_space<semaphore_mem>>) src(%dma_wait3A_168 : memref<1280xf32, #tpu.memory_space<vmem>>) dst(%dma_wait3A_166 : memref<1280xf32, #tpu.memory_space<hbm>>)
      tpu.yield
    }) : () -> ()
    return
  }
}

module attributes {stable_mosaic.version = 14 : i64} {
  func.func @finish(%arg0: memref<100000xf32, #tpu.memory_space<vmem>>, %arg1: memref<204800xf32, #tpu.memory_space<vmem>>, %arg2: memref<100000xf32, #tpu.memory_space<vmem>>) attributes {dimension_semantics = [], scalar_prefetch = 0 : i64, scratch_operands = 0 : i64, tpu.core_type = #tpu.core_type<tc>} {
    %get3A = arith.constant 0 : index
    %get3A_0 = vector.load %arg1[%get3A] : memref<204800xf32, #tpu.memory_space<vmem>>, vector<100000xf32>
    %get3A_1 = arith.constant 102400 : index
    %get3A_2 = vector.load %arg1[%get3A_1] : memref<204800xf32, #tpu.memory_space<vmem>>, vector<100000xf32>
    %get3A_3 = arith.constant 0 : index
    %get3A_4 = vector.load %arg0[%get3A_3] : memref<100000xf32, #tpu.memory_space<vmem>>, vector<100000xf32>
    %add3A = arith.addf %get3A_4, %get3A_0 : vector<100000xf32>
    %add3A_5 = arith.addf %add3A, %get3A_2 : vector<100000xf32>
    %tanh3A = math.tanh %add3A_5 : vector<100000xf32>
    %swap3A = arith.constant 0 : index
    %swap3A_6 = vector.load %arg2[%swap3A] : memref<100000xf32, #tpu.memory_space<vmem>>, vector<100000xf32>
    tpu.vector_store %arg2[%swap3A], %tanh3A {strides = array<i32>} : memref<100000xf32, #tpu.memory_space<vmem>>, vector<100000xf32>,
    return
  }
}

</mosaic_0001>

<sc_bundles>
// kernel: kernel.4.cloned.1.call-start
scs
__scs_entry_jumppad:
0x0: {  	(pc) =	sbr.rel $0x88, $3  }
0x1: {  	(tag) =	ssettag $0x0;
	lr =	simm.s32 $0x1  }
0x2: {  	[smem:$0x3F9E] =	sst lr;
	_ =	strace $0xD0000000  }
0x3: {  	_ = 	snop  }
0x4: {  	_ = 	snop  }
0x5: {  	_ = 	snop  }
0x6: {  	_ = 	snop  }
0x7: {  	_ = 	snop  }
__scs_overlays_trampoline_lowered:
0x8: {  	[smem:$0x3FAD] =	sst s0  }
0x9: {  	[smem:$0x3FAE] =	sst s1  }
0xa: {  	[smem:$0x3FAF] =	sst s2  }
0xb: {  	[smem:$0x3FB0] =	sst s3  }
0xc: {  	[smem:$0x3FB1] =	sst s4  }
0xd: {  	[smem:$0x3FB2] =	sst s5  }
0xe: {  	[smem:$0x3FB3] =	sst s6  }
0xf: {  	[smem:$0x3FB4] =	sst s7  }
0x10: {  	[smem:$0x3FB5] =	sst s8  }
0x11: {  	[smem:$0x3FB6] =	sst s9;
	s0 =	simm.s32 @!p0 $0x0  }
0x12: {  	s1 =	sld [smem:$0x3F9C];
	s0 =	simm.s32 @p0 $0x1  }
0x13: {  	[smem:$0x3FB7] =	sst s0;
	s0 =	simm.s32 @!p1 $0x0  }
0x14: {  	s2 =	sld [smem:$0x3F9B];
	s0 =	simm.s32 @p1 $0x1  }
0x15: {  	[smem:$0x3FB8] =	sst s0;
	s0 =	simm.s32 @!p2 $0x0  }
0x16: {  	s3 =	sld [smem:$0x3FDB];
	s0 =	simm.s32 @p2 $0x1  }
0x17: {  	s4 =	simm.s32 $0x1BF5;
	[smem:$0x3FBA] =	sst s0  }
0x18: {  	s0 =	sld [smem:$0x3F9D];
	_ =	swait.ge [sflag:s4], $0x0  }
0x19: {  	s7 =	sld [smem:$0x3F9E]  }
0x1a: {  	s8 =	sadd.s32 $0xFFFFE003, lr  }
0x1b: {  	s9 =	sadd.s32 $0xFFFFFEF7, lr;
	s5 =	simm.s32 $0xFFFFFFFF;
	p2 =	slt.u32 s8, $0xFFFFF086  }
0x1c: {  	p1 =	slt.u32 s9, $0xF7A;
	s5 =	simm.s32 @!p2 $0x0  }
0x1d: {  	s5 =	simm.s32 @p1 $0x1;
	p0 =	seq.s32 s7, s2  }
0x1e: {  	s7 =	smul.u32 @!p0 $0xF7A, s2;
	p2 =	seq.s32 @!p0 s5, $0x0  }
0x1f: {  	s9 =	smul.u32 $0xF7A, s1;
	s8 =	simm.s32 @!p0 $0x1BF5;
	p2 =	por !p2, p0  }
0x20: {  	[sflag:s8] =	ssyncset.s32 @!p0 $0xFFFFF086;
	s6 =	sadd.s32 @!p0 s3, s7;
	s7 =	simm.s32 @!p0 $0x108  }
0x21: {  	s3 =	sadd.s32 s3, s9;
	s6 =	sadd.s32 @!p0 $0x88, s6;
	s7 =	simm.s32 @p2 $0x1082  }
0x22: {  	[simem:s7], [sflag:s8] =	dma.local @!p0 [hbm:s6], $0xF7A  }
0x23: {  	s9 =	sor.u32 $0xD0000000, s2;
	s6 =	simm.s32 $0x108;
	_ =	swait.ge @!p0 [sflag:s8], $0x0  }
0x24: {  	s3 =	sadd.s32 $0x88, s3;
	s6 =	simm.s32 @!p1 $0x1082;
	[sflag:s4] =	ssyncset.s32 $0xFFFFF086  }
0x25: {  	[simem:s6], [sflag:s4] =	dma.local [hbm:s3], $0xF7A  }
0x26: {  	[smem:$0x3F9E] =	sst s1;
	(tag) =	ssettag s2;
	_ =	strace s9  }
0x27: {  	s1 =	sld [smem:$0x3FAE]  }
0x28: {  	s2 =	sld [smem:$0x3FAF]  }
0x29: {  	s4 =	sld [smem:$0x3FB1]  }
0x2a: {  	p0 =	seq.s32 s5, $0x0;
	s5 =	sld [smem:$0x3FB2]  }
0x2b: {  	s6 =	sld [smem:$0x3FB3]  }
0x2c: {  	s7 =	sld [smem:$0x3FB4]  }
0x2d: {  	s3 =	simm.s32 $0x108;
	s8 =	sld [smem:$0x3FB5]  }
0x2e: {  	s3 =	simm.s32 @!p0 $0x1082;
	s9 =	sld [smem:$0x3FB6]  }
0x2f: {  	lr =	sadd.s32 s0, s3;
	s0 =	sld [smem:$0x3FAD]  }
0x30: {  	s3 =	sld [smem:$0x3FB0]  }
0x31: {  	[smem:$0x3FB9] =	sst s10  }
0x32: {  	s10 =	sld [smem:$0x3FB7];
	_ =	sdelay $0x3  }
0x33: {  	p0 =	seq.s32 s10, $0x1;
	s10 =	sld [smem:$0x3FB9];
	_ =	sdelay $0x3  }
0x34: {  	[smem:$0x3FB9] =	sst s10  }
0x35: {  	s10 =	sld [smem:$0x3FB8];
	_ =	sdelay $0x3  }
0x36: {  	p1 =	seq.s32 s10, $0x1;
	s10 =	sld [smem:$0x3FB9];
	_ =	sdelay $0x3  }
0x37: {  	[smem:$0x3FB9] =	sst s10  }
0x38: {  	s10 =	sld [smem:$0x3FBA]  }
0x39: {  	_ = 	snop;
	(pc) =	sbr.ind lr, $3  }
0x3a: {  	_ = 	snop  }
0x3b: {  	_ = 	snop  }
0x3c: {  	p2 =	seq.s32 s10, $0x1;
	s10 =	sld [smem:$0x3FB9]  }
0x3d: {  	_ =	shalt  }
0x3e: {  	_ =	shalt  }
0x3f: {  	_ =	shalt  }
0x40: {  	_ =	shalt  }
0x41: {  	_ =	shalt  }
0x42: {  	_ =	shalt  }
0x43: {  	_ =	shalt  }
0x44: {  	_ =	shalt  }
0x45: {  	_ =	shalt  }
0x46: {  	_ =	shalt  }
0x47: {  	_ =	shalt  }
0x48: {  	_ =	shalt  }
0x49: {  	_ =	shalt  }
0x4a: {  	_ =	shalt  }
0x4b: {  	_ =	shalt  }
0x4c: {  	_ =	shalt  }
0x4d: {  	_ =	shalt  }
0x4e: {  	_ =	shalt  }
0x4f: {  	_ =	shalt  }
0x50: {  	_ =	shalt  }
0x51: {  	_ =	shalt  }
0x52: {  	_ =	shalt  }
0x53: {  	_ =	shalt  }
0x54: {  	_ =	shalt  }
0x55: {  	_ =	shalt  }
0x56: {  	_ =	shalt  }
0x57: {  	_ =	shalt  }
0x58: {  	_ =	shalt  }
0x59: {  	_ =	shalt  }
0x5a: {  	_ =	shalt  }
0x5b: {  	_ =	shalt  }
0x5c: {  	_ =	shalt  }
0x5d: {  	_ =	shalt  }
0x5e: {  	_ =	shalt  }
0x5f: {  	_ =	shalt  }
0x60: {  	_ =	shalt  }
0x61: {  	_ =	shalt  }
0x62: {  	_ =	shalt  }
0x63: {  	_ =	shalt  }
0x64: {  	_ =	shalt  }
0x65: {  	_ =	shalt  }
0x66: {  	_ =	shalt  }
0x67: {  	_ =	shalt  }
0x68: {  	_ =	shalt  }
0x69: {  	_ =	shalt  }
0x6a: {  	_ =	shalt  }
0x6b: {  	_ =	shalt  }
0x6c: {  	_ =	shalt  }
0x6d: {  	_ =	shalt  }
0x6e: {  	_ =	shalt  }
0x6f: {  	_ =	shalt  }
0x70: {  	_ =	shalt  }
0x71: {  	_ =	shalt  }
0x72: {  	_ =	shalt  }
0x73: {  	_ =	shalt  }
0x74: {  	_ =	shalt  }
0x75: {  	_ =	shalt  }
0x76: {  	_ =	shalt  }
0x77: {  	_ =	shalt  }
0x78: {  	_ =	shalt  }
0x79: {  	_ =	shalt  }
0x7a: {  	_ =	shalt  }
0x7b: {  	_ =	shalt  }
0x7c: {  	_ =	shalt  }
0x7d: {  	_ =	shalt  }
0x7e: {  	_ =	shalt  }
0x7f: {  	_ =	shalt  }
0x80: {  	_ =	shalt  }
0x81: {  	_ =	shalt  }
0x82: {  	_ =	shalt  }
0x83: {  	_ =	shalt  }
0x84: {  	_ =	shalt  }
0x85: {  	_ =	shalt  }
0x86: {  	_ =	shalt  }
0x87: {  	_ =	shalt  }
.Lfunc_end0:
.L_simem_size_0:
called_computation_lowered:
.L_overlay_start_0:
0x88: {  	s2 =	sld [smem:$0x3FD9]  }
0x89: {  	s3 =	sld [smem:$0x3FFE];
	_ =	sdelay $0x1  }
0x8a: {  	s1 =	srdreg.scid  }
0x8b: {  	s0 =	sand.u32 $0x1, s1  }
0x8c: {  	s17 =	sshll.u32 s0, $0xA;
	s2 =	sadd.s32 s3, s2  }
0x8d: {  	s2 =	sadd.s32 s2, s17  }
0x8e: {  	[smem:$0x3FC5] =	sst s2  }
0x8f: {  	_ = 	snop  }
0x90: {  	s2 =	sld [smem:$0x3FC9]  }
0x91: {  	s18 =	sld [smem:$0x3FC8]  }
0x92: {  	s4 =	sld [smem:$0x3FC7];
	(tm) =	ssettm $0x1  }
0x93: {  	s5 =	sld [smem:$0x3FFB];
	_ =	sdelay $0x3  }
0x94: {  	_ =	strace s5  }
0x95: {  	s5 =	sld [smem:$0x3FFC];
	_ =	sdelay $0x3  }
0x96: {  	_ =	strace s5  }
0x97: {  	s5 =	sld [smem:$0x3FFD];
	_ =	sdelay $0x3  }
0x98: {  	_ =	strace s5  }
0x99: {  	_ =	strace $0x8FFFFFFF  }
0x9a: {  	s19 =	sld [smem:$0x3FDB];
	_ =	sdelay $0x1  }
0x9b: {  	s6 =	simm.s32 $_scs_section_size  }
0x9c: {  	s7 =	simm.s32 $_size__tile_overlayer_lowered;
	s8 =	simm.s32 $_tile_overlayer_lowered  }
0x9d: {  	s22 =	simm.s32 $0x1BFF;
	s21 =	sshll.u32 s8, $0x1;
	s5 =	sadd.s32 s6, s19  }
0x9e: {  	s9 =	simm.s32 $0x0;
	s20 =	sshll.u32 s7, $0x1;
	s7 =	sadd.s32 s21, s5  }
0x9f: {  	[timem:s9], [sflag:s22] =	dma.local [hbm:s7], s20  }
0xa0: {  	_ =	swait.ge [sflag:s22], s20  }
0xa1: {  	s6 =	ssub.s32 $0x0, s20;
	[sflag:s22] =	ssyncset.done $0x0  }
0xa2: {  	[sflag:s22] =	ssyncadd.s32 s6;
	_ =	sdelay $0x1  }
0xa3: {  	s23 =	simm.s32 $0x1B8B  }
0xa4: {  	_ =	swait.ge [sflag:s23], $0x1  }
0xa5: {  	[sflag:s23] =	ssyncset.done $0x0  }
0xa6: {  	s25 =	simm.s32 $0x1B8E;
	s24 =	sld [smem:$0x3FFE];
	[sflag:s23] =	ssyncadd.s32 $0xFFFFFFFF  }
0xa7: {  	s26 =	simm.s32 $execute0_lowered;
	[smem:$0x3FD2] =	sst s25  }
0xa8: {  	s7 =	sshll.u32 s26, $0x1;
	_ =	strace $0x80000046;
	[dreg:$0x1] =	wrdreg $0xFFFFFFFF  }
0xa9: {  	s28 =	simm.s32 $_size_execute0_lowered;
	s5 =	sadd.s32 s5, s7;
	[dreg:$0x0] =	wrdreg $0x0  }
0xaa: {  	s7 =	sshll.u32 s28, $0x1;
	[dreg:$0x2] =	wrdreg s5  }
0xab: {  	[dreg:$0x3] =	wrdreg s7  }
0xac: {  	[dreg:$0x4] =	wrdreg $0xC0  }
0xad: {  	_ =	task [dreg:s9], $0x5FFFF  }
0xae: {  	[dreg:$0x1] =	wrdreg $0xFFFFFFFF  }
0xaf: {  	[dreg:$0x0] =	wrdreg $0x60  }
0xb0: {  	[dreg:$0x2] =	wrdreg s2  }
0xb1: {  	[dreg:$0x3] =	wrdreg s18  }
0xb2: {  	[dreg:$0x4] =	wrdreg s4  }
0xb3: {  	[dreg:$0x5] =	wrdreg s24  }
0xb4: {  	[dreg:$0x6] =	wrdreg $0x1D2000  }
0xb5: {  	[dreg:$0x7] =	wrdreg $0x9  }
0xb6: {  	_ =	task.clear_ibuf [dreg:s9], $0x8FFFF;
	_ =	strace $0x90000046  }
0xb7: {  	s29 =	simm.s32 $0x9;
	_ =	strace $0x80000048  }
0xb8: {  	_ =	swait.ge [sflag:s29], $0x1  }
0xb9: {  	[sflag:s29] =	ssyncadd.s32 $0xFFFFFFFF  }
0xba: {  	_ =	strace $0x90000048  }
0xbb: {  	_ =	sfence  }
0xbc: {  	s30 =	sld [smem:$0x0];
	_ =	sdelay $0x2  }
0xbd: {  	s31 =	sshll.u32 s1, $0xD;
	s1 =	sshrl.u32 s1, $0x2  }
0xbe: {  	s3 =	sand.u32 $0x4000, s31;
	s1 =	sadd.s32 s1, s30  }
0xbf: {  	s0 =	sor.u32 s3, s0;
	s1 =	sshll.u32 s1, $0x11  }
0xc0: {  	s0 =	sor.u32 s1, s0  }
0xc1: {  	s0 =	sadd.s32 $0x8F2B, s0  }
0xc2: {  	[sflag:s0] =	ssyncadd.remote.s32 $0x1  }
0xc3: {  	_ =	sfence.sel $0xFFFF  }
0xc4: {  	[dreg:$0x0] =	wrdreg $0xFFFFFFFF;
	(pc) =	sbr.abs _section_cstart, $3  }
0xc5: {  	[dreg:$0x1] =	wrdreg $0xFFFFFFFF  }
0xc6: {  	_ =	task.clear_ibuf [dreg:s9], $0x2FFFF;
	_ =	strace $0x9FFFFFFF  }
0xc7: {  	(tm) =	ssettm $0x7FFFFFFF  }
tec
execute0_lowered:
.L_overlay_start_1:
0x0: {  	(tag) =	ssettag $0x1  }
0x1: {  	s0 =	rddreg [dreg:$0x0]  }
0x2: {  	s1 =	rddreg [dreg:$0x1]  }
0x3: {  	s2 =	rddreg [dreg:$0x2]  }
0x4: {  	s3 =	rddreg [dreg:$0x3]  }
0x5: {  	s4 =	rddreg [dreg:$0x4]  }
0x6: {  	s5 =	srdreg.scid;
	s6 =	stileid.u32  }
0x7: {  	s14 =	simm.s32 $0x3;
	s28 =	simm.s32 $0x1AA00;
	s29 =	simm.s32 $0x1C800  }
0x8: {  	s7 =	sand.u32 $0x1, s5;
	s8 =	smul.u32 $0x1900, s6;
	s6 =	sshll.u32 s6, $0x1  }
0x9: {  	s30 =	simm.s32 $0x1AF00;
	s9 =	smul.u32 $0x19000, s7;
	s6 =	sor.u32 s7, s6  }
0xa: {  	s31 =	simm.s32 $0x1CD00;
	s5 =	simm.s32 $0x0;
	s10 =	smulhi.u32 $0xCCCCCCCD, s6  }
0xb: {  	[smem:$0x7FF] =	sst s5;
	s7 =	ssub.s32 $0x2, s7;
	s11 =	smul.u32 $0x500, s6  }
0xc: {  	_ =	strace $0x80000047;
	s12 =	sshrl.u32 s7, $0x1;
	s17 =	smul.u32 $0x140, s6  }
0xd: {  	s18 =	smul.u32 $0xA0, s6;
	s9 =	sadd.s32 s9, s8;
	s7 =	ssub.s32 s7, s12  }
0xe: {  	s10 =	sshrl.u32 s10, $0x2;
	s9 =	sshrl.u32 s9, $0x3;
	s13 =	sadd.s32 $0xA000, s11  }
0xf: {  	s12 =	sadd.s32 s2, s18;
	s10 =	smul.u32 $0x5, s10;
	s3 =	sadd.s32 s9, s3  }
0x10: {  	s9 =	sadd.s32 s1, s17;
	s19 =	sshrl.u32 s13, $0x2;
	[dreg:$0x8] =	wrdreg s12  }
0x11: {  	s20 =	sshrl.u32 s13, $0x3;
	s13 =	simm.s32 $0xFFFFFFFD;
	s17 =	sadd.s32 $0x14000, s11  }
0x12: {  	[dreg:$0x6] =	wrdreg s9;
	s9 =	sadd.s32 s1, s19;
	s18 =	sshrl.u32 s17, $0x2  }
0x13: {  	s19 =	sadd.s32 $0x618000, s11;
	s10 =	ssub.s32 s6, s10;
	[dreg:$0x9] =	wrdreg s9  }
0x14: {  	s9 =	sadd.s32 s2, s20;
	s20 =	sshrl.u32 s19, $0x2;
	s15 =	smul.u32 $0x4E20, s10  }
0x15: {  	p0 =	seq.s32 s10, $0x4;
	[dreg:$0x13] =	wrdreg s9;
	s9 =	sadd.s32 s1, s18  }
0x16: {  	s18 =	simm.s32 $0x7;
	[dreg:$0x14] =	wrdreg s9;
	s9 =	sadd.s32 s8, s4  }
0x17: {  	s8 =	sadd.s32 s1, s20;
	s20 =	simm.s32 $0x1;
	[dreg:$0x7] =	wrdreg s15  }
0x18: {  	s21 =	sshrl.u32 s15, $0x3;
	s16 =	sadd.s32 $0x4E20, s15;
	[dreg:$0x17] =	wrdreg s8  }
0x19: {  	s11 =	sadd.s32 $0x500, s9;
	s8 =	simm.s32 $0x0;
	[dreg:$0x16] =	wrdreg s9  }
0x1a: {  	s16 =	simm.s32 @p0 $0x0;
	s12 =	sadd.s32 s0, s21;
	[dreg:$0x1f] =	wrdreg s11  }
0x1b: {  	p0 =	sgt.u32 s10, $0x2;
	s21 =	sadd.s32 $0x800, s3;
	[dreg:$0xb] =	wrdreg s12  }
0x1c: {  	s13 =	simm.s32 @!p0 $0x2;
	p0 =	slt.u32 s10, $0x2;
	[dreg:$0xa] =	wrdreg s16  }
0x1d: {  	s23 =	sshrl.u32 s16, $0x3;
	[dreg:$0x19] =	wrdreg s21;
	s21 =	simm.s32 $0x500  }
0x1e: {  	s22 =	sadd.s32 s10, s13;
	s14 =	simm.s32 @!p0 $0xFFFFFFFE;
	s26 =	sadd.s32 s0, s23  }
0x1f: {  	p0 =	seq.s32 s10, $0x0;
	s23 =	sadd.s32 $0x940, s3;
	[dreg:$0xf] =	wrdreg s26  }
0x20: {  	s24 =	smul.u32 $0x4E20, s22;
	s22 =	sadd.s32 $0x8A0, s3;
	[dreg:$0x1b] =	wrdreg s23  }
0x21: {  	s25 =	sadd.s32 s10, s14;
	s26 =	smax.u32 s7, $0x1;
	[dreg:$0x1a] =	wrdreg s22  }
0x22: {  	s14 =	sadd.s32 $0xFFFFB1E0, s15;
	s12 =	smul.u32 $0x4E20, s25;
	[dreg:$0x1e] =	wrdreg s26  }
0x23: {  	s14 =	simm.s32 @p0 $0x13880;
	s25 =	sadd.s32 $0xA80, s3;
	[dreg:$0xc] =	wrdreg s24  }
0x24: {  	p0 =	sgt.s32 s6, $0x7;
	s22 =	simm.s32 $0x1A500;
	[dreg:$0xe] =	wrdreg s14  }
0x25: {  	s26 =	simm.s32 $0x2;
	s13 =	sshrl.u32 s24, $0x3;
	[dreg:$0x1d] =	wrdreg s25  }
0x26: {  	s16 =	sshrl.u32 s14, $0x3;
	s24 =	sadd.s32 $0x9E0, s3;
	[dreg:$0xd] =	wrdreg s12  }
0x27: {  	s3 =	simm.s32 $0x3;
	s14 =	sadd.s32 $0xF00, s9;
	[dreg:$0x1c] =	wrdreg s24  }
0x28: {  	s10 =	sadd.s32 s0, s13;
	s15 =	sshrl.u32 s12, $0x3;
	[smem:$0x7FC] =	sst s14  }
0x29: {  	s13 =	sadd.s32 $0xA00, s9;
	s12 =	sadd.s32 $0x40, s6;
	[dreg:$0x10] =	wrdreg s10  }
0x2a: {  	s10 =	sadd.s32 s0, s15;
	s0 =	sadd.s32 s0, s16;
	[smem:$0x7FB] =	sst s13  }
.Ltmp0:
0x2b: {  	[dreg:$0x12] =	wrdreg s0;
	s0 =	sshrl.u32 s17, $0x3;
	(pc) =	sbr.rel .LBB2_1-.Ltmp0, $4  }
0x2c: {  	s15 =	sadd.s32 $0x1400, s9;
	[dreg:$0x11] =	wrdreg s10;
	s0 =	sadd.s32 s2, s0  }
0x2d: {  	s16 =	simm.s32 $0x19B00;
	[dreg:$0x15] =	wrdreg s0;
	s0 =	sshrl.u32 s19, $0x3  }
0x2e: {  	s10 =	sadd.s32 $0x20, s6;
	[smem:$0x7FD] =	sst s15;
	s0 =	sadd.s32 s2, s0  }
0x2f: {  	v0 =	vimm.f32 $0.0e+00;
	s17 =	simm.s32 $0x1BE00;
	s19 =	simm.s32 $0x1C300;
	[dreg:$0x18] =	wrdreg s0  }
.LBB2_17:
0x30: {  	[bflag:$0x0] =	sbarrier.arrive $0xFFFF  }
0x31: {  	s9 =	rddreg [dreg:$0x16]  }
0x32: {  	[tilespmem:s19], [sflag:$0x7] =	stream.linear.gather [spmem:s9], $0x500, $0x38;
	[tilespmem:$0x1EB00] =	vst v63  }
0x33: {  	_ =	swait.ge [sflag:s18], $0x500  }
0x34: {  	[sflag:s18] =	ssyncset.done $0x0  }
0x35: {  	s0 =	rddreg [dreg:$0x19];
	[sflag:s18] =	ssyncadd.s32 $0xFFFFFB00  }
0x36: {  	[hbm4b:s0+s5] =	stream.linear.scatter [tilespmem:s19], [sflag:$0x7], $0x500, $0x38;
	[tilespmem:$0x1EB00] =	vst v63  }
0x37: {  	_ =	swait.ge [sflag:s18], $0x500  }
0x38: {  	[sflag:s18] =	ssyncset.done $0x0  }
0x39: {  	s11 =	rddreg [dreg:$0x1f];
	[sflag:s18] =	ssyncadd.s32 $0xFFFFFB00  }
0x3a: {  	[tilespmem:s19], [sflag:$0x7] =	stream.linear.gather [spmem:s11], $0x500, $0x38;
	[tilespmem:$0x1EB00] =	vst v63  }
0x3b: {  	_ =	swait.ge [sflag:s18], $0x500  }
0x3c: {  	[sflag:s18] =	ssyncset.done $0x0  }
0x3d: {  	s14 =	rddreg [dreg:$0x1a];
	[sflag:s18] =	ssyncadd.s32 $0xFFFFFB00  }
0x3e: {  	[hbm4b:s14+s5] =	stream.linear.scatter [tilespmem:s19], [sflag:$0x7], $0x500, $0x38;
	[tilespmem:$0x1EB00] =	vst v63  }
0x3f: {  	_ =	swait.ge [sflag:s18], $0x500  }
0x40: {  	s13 =	sld [smem:$0x7FB]  }
0x41: {  	[sflag:s18] =	ssyncset.done $0x0  }
0x42: {  	[sflag:s18] =	ssyncadd.s32 $0xFFFFFB00  }
0x43: {  	[tilespmem:s19], [sflag:$0x7] =	stream.linear.gather [spmem:s13], $0x500, $0x38;
	[tilespmem:$0x1EB00] =	vst v63  }
0x44: {  	_ =	swait.ge [sflag:s18], $0x500  }
0x45: {  	[sflag:s18] =	ssyncset.done $0x0  }
0x46: {  	s15 =	rddreg [dreg:$0x1b];
	[sflag:s18] =	ssyncadd.s32 $0xFFFFFB00  }
0x47: {  	[hbm4b:s15+s5] =	stream.linear.scatter [tilespmem:s19], [sflag:$0x7], $0x500, $0x38;
	[tilespmem:$0x1EB00] =	vst v63  }
0x48: {  	_ =	swait.ge [sflag:s18], $0x500  }
0x49: {  	s14 =	sld [smem:$0x7FC]  }
0x4a: {  	[sflag:s18] =	ssyncset.done $0x0  }
0x4b: {  	[sflag:s18] =	ssyncadd.s32 $0xFFFFFB00  }
0x4c: {  	[tilespmem:s19], [sflag:$0x7] =	stream.linear.gather [spmem:s14], $0x500, $0x38;
	[tilespmem:$0x1EB00] =	vst v63  }
0x4d: {  	_ =	swait.ge [sflag:s18], $0x500  }
0x4e: {  	[sflag:s18] =	ssyncset.done $0x0  }
0x4f: {  	s23 =	rddreg [dreg:$0x1c];
	[sflag:s18] =	ssyncadd.s32 $0xFFFFFB00  }
0x50: {  	[hbm4b:s23+s5] =	stream.linear.scatter [tilespmem:s19], [sflag:$0x7], $0x500, $0x38;
	[tilespmem:$0x1EB00] =	vst v63  }
0x51: {  	_ =	swait.ge [sflag:s18], $0x500  }
0x52: {  	s15 =	sld [smem:$0x7FD]  }
0x53: {  	[sflag:s18] =	ssyncset.done $0x0  }
0x54: {  	[sflag:s18] =	ssyncadd.s32 $0xFFFFFB00  }
0x55: {  	[tilespmem:s19], [sflag:$0x7] =	stream.linear.gather [spmem:s15], $0x500, $0x38;
	[tilespmem:$0x1EB00] =	vst v63  }
0x56: {  	_ =	swait.ge [sflag:s18], $0x500  }
0x57: {  	[sflag:s18] =	ssyncset.done $0x0  }
0x58: {  	s24 =	rddreg [dreg:$0x1d];
	[sflag:s18] =	ssyncadd.s32 $0xFFFFFB00  }
0x59: {  	[hbm4b:s24+s5] =	stream.linear.scatter [tilespmem:s19], [sflag:$0x7], $0x500, $0x38;
	[tilespmem:$0x1EB00] =	vst v63  }
0x5a: {  	_ =	swait.ge [sflag:s18], $0x500  }
0x5b: {  	s8 =	sadd.s32 $0x1, s8;
	s25 =	rddreg [dreg:$0x1e]  }
0x5c: {  	p1 =	sne.s32 s8, s25  }
.Ltmp1:
0x5d: {  	_ = 	snop;
	(pc) =	sbr.rel @!p1 .LBB2_18-.Ltmp1, $3  }
0x5e: {  	_ =	sdelay $0x1  }
0x5f: {  	[sflag:s18] =	ssyncset.done $0x0  }
0x60: {  	[sflag:s18] =	ssyncadd.s32 $0xFFFFFB00  }
.LBB2_1:
0x61: {  	s0 =	rddreg [dreg:$0x6]  }
0x62: {  	s7 =	simm.s32 $0x18700;
	s24 =	rddreg [dreg:$0x8]  }
0x63: {  	[tilespmem:s7], [sflag:$0x1] =	stream.linear.gather [hbm4b:s0+s5], $0xA00, $0x38;
	[tilespmem:$0x1EB00] =	vst v63  }
0x64: {  	s25 =	simm.s32 $0x1B400;
	s7 =	rddreg [dreg:$0x9]  }
0x65: {  	[tilespmem:s25], [sflag:$0x1] =	stream.linear.gather [hbm4b:s24+s5], $0x500, $0x38;
	[tilespmem:$0x1EB00] =	vst v63  }
0x66: {  	s23 =	simm.s32 $0x19100;
	s24 =	rddreg [dreg:$0x13]  }
0x67: {  	[tilespmem:s23], [sflag:$0x2] =	stream.linear.gather [hbm4b:s7+s5], $0xA00, $0x38;
	[tilespmem:$0x1EB00] =	vst v63  }
0x68: {  	s25 =	simm.s32 $0x1B900;
	s7 =	rddreg [dreg:$0x14]  }
0x69: {  	[tilespmem:s25], [sflag:$0x2] =	stream.linear.gather [hbm4b:s24+s5], $0x500, $0x38;
	[tilespmem:$0x1EB00] =	vst v63  }
0x6a: {  	s23 =	rddreg [dreg:$0x15]  }
0x6b: {  	[tilespmem:s16], [sflag:$0x3] =	stream.linear.gather [hbm4b:s7+s5], $0xA00, $0x38;
	[tilespmem:$0x1EB00] =	vst v63  }
0x6c: {  	s24 =	rddreg [dreg:$0x7]  }
0x6d: {  	[tilespmem:s17], [sflag:$0x3] =	stream.linear.gather [hbm4b:s23+s5], $0x500, $0x38;
	[tilespmem:$0x1EB00] =	vst v63  }
0x6e: {  	s25 =	rddreg [dreg:$0xb]  }
0x6f: {  	[tilespmem:s24], [sflag:$0x7] =	stream.linear.gather [hbm4b:s25+s5], $0x4E20, $0x38;
	[tilespmem:$0x1EB00] =	vst v63  }
0x70: {  	_ =	swait.ge [sflag:s18], $0x4E20  }
0x71: {  	[sflag:s18] =	ssyncset.done $0x0;
	s7 =	rddreg [dreg:$0xa]  }
0x72: {  	s23 =	rddreg [dreg:$0xf];
	[sflag:s18] =	ssyncadd.s32 $0xFFFFB1E0  }
0x73: {  	[tilespmem:s7], [sflag:$0x7] =	stream.linear.gather [hbm4b:s23+s5], $0x4E20, $0x38;
	[tilespmem:$0x1EB00] =	vst v63  }
0x74: {  	_ =	swait.ge [sflag:s18], $0x4E20  }
0x75: {  	[sflag:s18] =	ssyncset.done $0x0;
	s24 =	rddreg [dreg:$0xc]  }
0x76: {  	s25 =	rddreg [dreg:$0x10];
	[sflag:s18] =	ssyncadd.s32 $0xFFFFB1E0  }
0x77: {  	[tilespmem:s24], [sflag:$0x7] =	stream.linear.gather [hbm4b:s25+s5], $0x4E20, $0x38;
	[tilespmem:$0x1EB00] =	vst v63  }
0x78: {  	_ =	swait.ge [sflag:s18], $0x4E20  }
0x79: {  	[sflag:s18] =	ssyncset.done $0x0;
	s7 =	rddreg [dreg:$0xd]  }
0x7a: {  	s23 =	rddreg [dreg:$0x11];
	[sflag:s18] =	ssyncadd.s32 $0xFFFFB1E0  }
0x7b: {  	[tilespmem:s7], [sflag:$0x7] =	stream.linear.gather [hbm4b:s23+s5], $0x4E20, $0x38;
	[tilespmem:$0x1EB00] =	vst v63  }
0x7c: {  	_ =	swait.ge [sflag:s18], $0x4E20  }
0x7d: {  	[sflag:s18] =	ssyncset.done $0x0;
	s24 =	rddreg [dreg:$0xe]  }
0x7e: {  	s25 =	rddreg [dreg:$0x12];
	[sflag:s18] =	ssyncadd.s32 $0xFFFFB1E0  }
0x7f: {  	[tilespmem:s24], [sflag:$0x7] =	stream.linear.gather [hbm4b:s25+s5], $0x4E20, $0x38;
	[tilespmem:$0x1EB00] =	vst v63  }
0x80: {  	_ =	swait.ge [sflag:s18], $0x4E20  }
0x81: {  	[sflag:s18] =	ssyncset.done $0x0  }
0x82: {  	s0 =	simm.s32 $0x40;
	s7 =	simm.s32 $0x0;
	[sflag:s18] =	ssyncadd.s32 $0xFFFFB1E0  }
.LBB2_2:
0x83: {  	p1 =	sne.s32 s0, $0x13C0;
	[tilespmem:s7+$0x1C300] =	vst v0;
	s7 =	smov.u32 s0;
	s0 =	sadd.s32 $0x40, s0  }
.Ltmp2:
0x84: {  	(pc) =	sbr.rel @p1 .LBB2_2-.Ltmp2, $2  }
0x85: {  	_ =	sdelay $0x2  }
0x86: {  	s7 =	sshra.s32 s7, $0x2  }
0x87: {  	[tilespmem:s7+$0x1C300] =	vst v0  }
0x88: {  	[spmem:s9] =	stream.linear.scatter [tilespmem:s19], [sflag:$0x7], $0x500, $0x38;
	[tilespmem:$0x1EB00] =	vst v63  }
0x89: {  	_ =	swait.ge [sflag:s18], $0x500  }
0x8a: {  	[sflag:s18] =	ssyncset.done $0x0  }
0x8b: {  	[sflag:s18] =	ssyncadd.s32 $0xFFFFFB00  }
0x8c: {  	[spmem:s11] =	stream.linear.scatter [tilespmem:s19], [sflag:$0x7], $0x500, $0x38;
	[tilespmem:$0x1EB00] =	vst v63  }
0x8d: {  	_ =	swait.ge [sflag:s18], $0x500  }
0x8e: {  	[sflag:s18] =	ssyncset.done $0x0  }
0x8f: {  	[sflag:s18] =	ssyncadd.s32 $0xFFFFFB00  }
0x90: {  	[spmem:s13] =	stream.linear.scatter [tilespmem:s19], [sflag:$0x7], $0x500, $0x38;
	[tilespmem:$0x1EB00] =	vst v63  }
0x91: {  	_ =	swait.ge [sflag:s18], $0x500  }
0x92: {  	[sflag:s18] =	ssyncset.done $0x0  }
0x93: {  	[sflag:s18] =	ssyncadd.s32 $0xFFFFFB00  }
0x94: {  	[spmem:s14] =	stream.linear.scatter [tilespmem:s19], [sflag:$0x7], $0x500, $0x38;
	[tilespmem:$0x1EB00] =	vst v63  }
0x95: {  	_ =	swait.ge [sflag:s18], $0x500  }
0x96: {  	[sflag:s18] =	ssyncset.done $0x0  }
0x97: {  	[sflag:s18] =	ssyncadd.s32 $0xFFFFFB00  }
0x98: {  	[spmem:s15] =	stream.linear.scatter [tilespmem:s19], [sflag:$0x7], $0x500, $0x38;
	[tilespmem:$0x1EB00] =	vst v63  }
0x99: {  	_ =	swait.ge [sflag:s18], $0x500  }
0x9a: {  	[sflag:s18] =	ssyncset.done $0x0  }
0x9b: {  	[sflag:s18] =	ssyncadd.s32 $0xFFFFFB00  }
0x9c: {  	s11 =	simm.s32 $0x0;
	[bflag:$0x0] =	sbarrier.arrive $0xFFFF  }
.LBB2_4:
0x9d: {  	_ =	swait.ge [sflag:s20], $0xA00  }
0x9e: {  	[sflag:s20] =	ssyncset.done $0x0  }
0x9f: {  	[sflag:s20] =	ssyncadd.s32 $0xFFFFF600  }
0xa0: {  	_ =	swait.ge [sflag:s20], $0x500  }
0xa1: {  	p1 =	seq.s32 s11, $0x0;
	[sflag:s20] =	ssyncset.done $0x0  }
0xa2: {  	s0 =	simm.s32 @!p1 $0x4;
	[sflag:s20] =	ssyncadd.s32 $0xFFFFFB00  }
0xa3: {  	_ =	swait.ge @!p1 [sflag:s0], $0x500  }
0xa4: {  	[sflag:s0] =	ssyncset.done @!p1 $0x0  }
0xa5: {  	s23 =	simm.s32 $0x18780;
	[sflag:s0] =	ssyncadd.s32 @!p1 $0xFFFFFB00  }
0xa6: {  	v1 =	vld [tilespmem:s23+$0xFFFFFFF0]  }
0xa7: {  	v2 =	vld [tilespmem:s23+$0xFFFFFF90]  }
0xa8: {  	v3 =	vld [tilespmem:s23+$0xFFFFFFA0]  }
0xa9: {  	v4 =	vld [tilespmem:s23+$0xFFFFFFB0]  }
0xaa: {  	v5 =	vld [tilespmem:s23+$0xFFFFFFC0]  }
0xab: {  	v6 =	vld [tilespmem:s23+$0xFFFFFFD0]  }
0xac: {  	v7 =	vld [tilespmem:s23+$0xFFFFFFE0]  }
0xad: {  	s7 =	simm.s32 $0x1B440;
	v8 =	vld [tilespmem:s23+$0xFFFFFF80]  }
0xae: {  	v9 =	vld [tilespmem:s7+$0x30]  }
0xaf: {  	v10 =	vld [tilespmem:s7+$0xFFFFFFC0]  }
0xb0: {  	v11 =	vld [tilespmem:s7+$0xFFFFFFD0]  }
0xb1: {  	v12 =	vld [tilespmem:s7+$0xFFFFFFE0]  }
0xb2: {  	v54 =	vld [tilespmem:s7+$0xFFFFFFF0]  }
0xb3: {  	v13 =	vld [tilespmem:s7+$0x0]  }
0xb4: {  	s14 =	simm.s32 $0x18880;
	v56 =	vld [tilespmem:s7+$0x20]  }
0xb5: {  	v57 =	vld [tilespmem:s14+$0xFFFFFF90]  }
0xb6: {  	v58 =	vld [tilespmem:s14+$0xFFFFFFA0]  }
0xb7: {  	v59 =	vld [tilespmem:s14+$0xFFFFFFB0]  }
0xb8: {  	v14 =	vld [tilespmem:s14+$0xFFFFFFC0]  }
0xb9: {  	v15 =	vld [tilespmem:s14+$0xFFFFFFD0]  }
0xba: {  	v16 =	vld [tilespmem:s14+$0xFFFFFFE0]  }
0xbb: {  	v17 =	vld [tilespmem:s14+$0xFFFFFF80]  }
0xbc: {  	s13 =	simm.s32 $0x1B4C0;
	v1 =	vld.idx.msk [tilespmem:v1+s5+$0x0], $0xffff  }
0xbd: {  	v18 =	vld [tilespmem:s13+$0x30]  }
0xbe: {  	v8 =	vld.idx.msk [tilespmem:v8+s5+$0x0], $0xffff  }
0xbf: {  	v2 =	vld.idx.msk [tilespmem:v2+s5+$0x0], $0xffff  }
0xc0: {  	v61 =	vld [tilespmem:s13+$0x0]  }
0xc1: {  	v4 =	vld.idx.msk [tilespmem:v4+s5+$0x0], $0xffff;
	v1 =	vmul.f32 v9, v1  }
0xc2: {  	s9 =	simm.s32 $0x1C340;
	v6 =	vld.idx.msk [tilespmem:v6+s5+$0x0], $0xffff  }
0xc3: {  	[tilespmem:s9+$0x30] =	vst v1;
	v1 =	vmul.f32 v10, v8;
	v8 =	vld [tilespmem:s7+$0x10]  }
0xc4: {  	v62 =	vld [tilespmem:s13+$0x10];
	v2 =	vmul.f32 v11, v2  }
0xc5: {  	v3 =	vld.idx.msk [tilespmem:v3+s5+$0x0], $0xffff  }
0xc6: {  	v5 =	vld.idx.msk [tilespmem:v5+s5+$0x0], $0xffff;
	[tilespmem:s9+$0xFFFFFFD0] =	vst v2;
	v2 =	vmul.f32 v54, v4  }
0xc7: {  	v7 =	vld.idx.msk [tilespmem:v7+s5+$0x0], $0xffff  }
0xc8: {  	[tilespmem:s9+$0xFFFFFFF0] =	vst v2;
	v2 =	vmul.f32 v8, v6;
	v8 =	vld [tilespmem:s14+$0xFFFFFFF0]  }
0xc9: {  	v14 =	vld.idx.msk [tilespmem:v14+s5+$0x0], $0xffff  }
0xca: {  	v15 =	vld.idx.msk [tilespmem:v15+s5+$0x0], $0xffff  }
0xcb: {  	v60 =	vld.idx.msk [tilespmem:v17+s5+$0x0], $0xffff  }
0xcc: {  	v9 =	vld.idx.msk [tilespmem:v57+s5+$0x0], $0xffff  }
0xcd: {  	v4 =	vld [tilespmem:s23+$0x10]  }
0xce: {  	[tilespmem:s9+$0xFFFFFFC0] =	vst v1;
	v1 =	vmul.f32 v12, v3;
	v12 =	vld.idx.msk [tilespmem:v58+s5+$0x0], $0xffff  }
0xcf: {  	v3 =	vld [tilespmem:s23+$0x0]  }
0xd0: {  	v7 =	vmul.f32 v56, v7;
	v8 =	vld.idx.msk [tilespmem:v8+s5+$0x0], $0xffff  }
0xd1: {  	[tilespmem:s9+$0xFFFFFFE0] =	vst v1;
	v1 =	vmul.f32 v13, v5;
	v13 =	vld.idx.msk [tilespmem:v59+s5+$0x0], $0xffff  }
0xd2: {  	[tilespmem:s9+$0x20] =	vst v7;
	v5 =	vld [tilespmem:s23+$0x20]  }
0xd3: {  	s24 =	simm.s32 $0x1A540;
	v6 =	vld [tilespmem:s23+$0x30];
	[tilespmem:s9+$0x0] =	vst v1  }
0xd4: {  	[tilespmem:s24+$0xFFFFFFD0] =	vst v4;
	v4 =	vld [tilespmem:s13+$0xFFFFFFD0]  }
0xd5: {  	v1 =	vld [tilespmem:s23+$0x40];
	[tilespmem:s9+$0x10] =	vst v2;
	v8 =	vmul.f32 v18, v8  }
0xd6: {  	s15 =	simm.s32 $0x1C3C0;
	v63 =	vmul.f32 v62, v15;
	v2 =	vld [tilespmem:s23+$0x50];
	[tilespmem:s24+$0xFFFFFFC0] =	vst v3  }
0xd7: {  	v3 =	vld [tilespmem:s13+$0xFFFFFFC0];
	[tilespmem:s15+$0x30] =	vst v8  }
0xd8: {  	[tilespmem:s15+$0x10] =	vst v63;
	v7 =	vld [tilespmem:s14+$0x70]  }
0xd9: {  	[tilespmem:s24+$0xFFFFFFE0] =	vst v5;
	v5 =	vld [tilespmem:s13+$0xFFFFFFE0]  }
0xda: {  	[tilespmem:s24+$0xFFFFFFF0] =	vst v6;
	v6 =	vld [tilespmem:s13+$0xFFFFFFF0]  }
0xdb: {  	v55 =	vld [tilespmem:s23+$0x70];
	[tilespmem:s24+$0x0] =	vst v1  }
0xdc: {  	s25 =	simm.s32 $0x1A5C0;
	[tilespmem:s24+$0x10] =	vst v2;
	v1 =	vmul.f32 v3, v60;
	v8 =	vld.idx.msk [tilespmem:v16+s5+$0x0], $0xffff  }
0xdd: {  	v3 =	vmul.f32 v4, v9;
	[tilespmem:s25+$0x30] =	vst v7;
	v7 =	vld [tilespmem:s13+$0x20]  }
0xde: {  	[tilespmem:s15+$0xFFFFFFC0] =	vst v1;
	v4 =	vmul.f32 v5, v12;
	v1 =	vld [tilespmem:s23+$0x60]  }
0xdf: {  	[tilespmem:s15+$0xFFFFFFD0] =	vst v3;
	v5 =	vmul.f32 v6, v13;
	v2 =	vld [tilespmem:s14+$0x0]  }
0xe0: {  	v6 =	vmul.f32 v61, v14;
	v3 =	vld [tilespmem:s14+$0x10];
	[tilespmem:s15+$0xFFFFFFE0] =	vst v4  }
0xe1: {  	[tilespmem:s15+$0xFFFFFFF0] =	vst v5;
	v4 =	vld [tilespmem:s14+$0x20]  }
0xe2: {  	[tilespmem:s15+$0x0] =	vst v6;
	v5 =	vld [tilespmem:s14+$0x30];
	v8 =	vmul.f32 v7, v8  }
0xe3: {  	[tilespmem:s24+$0x30] =	vst v55;
	v6 =	vld [tilespmem:s14+$0x40]  }
0xe4: {  	s7 =	simm.s32 $0x80;
	s9 =	simm.s32 $0x18980;
	v7 =	vld [tilespmem:s14+$0x50];
	[tilespmem:s15+$0x20] =	vst v8  }
.LBB2_5:
0xe5: {  	v8 =	vld [tilespmem:s9+$0xFFFFFFF0];
	s7 =	sadd.s32 $0x80, s7;
	[tilespmem:s25+$0xFFFFFFC0] =	vst v2  }
0xe6: {  	v2 =	vld [tilespmem:s9+$0xFFFFFF90];
	p2 =	slt.u32 s7, $0x480;
	[tilespmem:s25+$0xFFFFFFD0] =	vst v3  }
0xe7: {  	v3 =	vld [tilespmem:s9+$0xFFFFFFA0];
	[tilespmem:s25+$0xFFFFFFE0] =	vst v4  }
0xe8: {  	v4 =	vld [tilespmem:s9+$0xFFFFFFB0];
	[tilespmem:s25+$0xFFFFFFF0] =	vst v5  }
0xe9: {  	v5 =	vld [tilespmem:s9+$0xFFFFFFC0];
	[tilespmem:s25+$0x0] =	vst v6  }
0xea: {  	v6 =	vld [tilespmem:s9+$0xFFFFFFD0];
	[tilespmem:s25+$0x10] =	vst v7  }
0xeb: {  	v7 =	vld [tilespmem:s9+$0xFFFFFFE0];
	[tilespmem:s24+$0x20] =	vst v1;
	s24 =	smov.u32 s25  }
0xec: {  	v1 =	vld [tilespmem:s9+$0xFFFFFF80]  }
0xed: {  	s13 =	sadd.s32 $0x80, s13;
	v8 =	vld.idx.msk [tilespmem:v8+s5+$0x0], $0xffff  }
0xee: {  	v9 =	vld [tilespmem:s13+$0x30]  }
0xef: {  	v2 =	vld.idx.msk [tilespmem:v2+s5+$0x0], $0xffff  }
0xf0: {  	v3 =	vld.idx.msk [tilespmem:v3+s5+$0x0], $0xffff  }
0xf1: {  	v4 =	vld.idx.msk [tilespmem:v4+s5+$0x0], $0xffff  }
0xf2: {  	v5 =	vld.idx.msk [tilespmem:v5+s5+$0x0], $0xffff  }
0xf3: {  	v6 =	vld.idx.msk [tilespmem:v6+s5+$0x0], $0xffff;
	v8 =	vmul.f32 v9, v8  }
0xf4: {  	s15 =	sadd.s32 $0x80, s15;
	v1 =	vld.idx.msk [tilespmem:v1+s5+$0x0], $0xffff  }
0xf5: {  	v7 =	vld.idx.msk [tilespmem:v7+s5+$0x0], $0xffff;
	[tilespmem:s15+$0x30] =	vst v8  }
0xf6: {  	v8 =	vld [tilespmem:s9+$0x70]  }
0xf7: {  	v9 =	vld [tilespmem:s13+$0xFFFFFFC0]  }
0xf8: {  	v10 =	vld [tilespmem:s13+$0xFFFFFFD0]  }
0xf9: {  	v11 =	vld [tilespmem:s13+$0xFFFFFFE0]  }
0xfa: {  	s25 =	sadd.s32 $0x80, s25;
	v12 =	vld [tilespmem:s13+$0xFFFFFFF0]  }
0xfb: {  	v13 =	vld [tilespmem:s13+$0x0];
	[tilespmem:s25+$0x30] =	vst v8  }
0xfc: {  	v1 =	vmul.f32 v9, v1;
	v8 =	vld [tilespmem:s13+$0x10]  }
0xfd: {  	v9 =	vmul.f32 v10, v2;
	v10 =	vld [tilespmem:s13+$0x20]  }
0xfe: {  	[tilespmem:s15+$0xFFFFFFC0] =	vst v1;
	v11 =	vmul.f32 v11, v3;
	v1 =	vld [tilespmem:s14+$0x60];
	s14 =	smov.u32 s9  }
0xff: {  	v2 =	vld [tilespmem:s9+$0x0];
	[tilespmem:s15+$0xFFFFFFD0] =	vst v9;
	v9 =	vmul.f32 v12, v4  }
.Ltmp3:
0x100: {  	v3 =	vld [tilespmem:s9+$0x10];
	[tilespmem:s15+$0xFFFFFFE0] =	vst v11;
	v11 =	vmul.f32 v13, v5;
	(pc) =	sbr.rel @p2 .LBB2_5-.Ltmp3, $4  }
0x101: {  	v4 =	vld [tilespmem:s9+$0x20];
	[tilespmem:s15+$0xFFFFFFF0] =	vst v9;
	v8 =	vmul.f32 v8, v6  }
0x102: {  	v5 =	vld [tilespmem:s9+$0x30];
	[tilespmem:s15+$0x0] =	vst v11;
	v9 =	vmul.f32 v10, v7  }
0x103: {  	v6 =	vld [tilespmem:s9+$0x40];
	[tilespmem:s15+$0x10] =	vst v8  }
0x104: {  	s9 =	sadd.s32 $0x100, s9;
	v7 =	vld [tilespmem:s14+$0x50];
	[tilespmem:s15+$0x20] =	vst v9  }
0x105: {  	[tilespmem:s25+$0xFFFFFFC0] =	vst v2;
	s15 =	sadd.s32 $0x1, s11;
	p2 =	seq.s32 s11, $0x33  }
0x106: {  	[tilespmem:s25+$0xFFFFFFD0] =	vst v3;
	s13 =	smul.u32 @!p2 $0x60, s15  }
0x107: {  	v2 =	vld [tilespmem:s14+$0x60];
	[tilespmem:s24+$0x20] =	vst v1  }
0x108: {  	[tilespmem:s25+$0xFFFFFFE0] =	vst v4;
	s0 =	sadd.s32 @!p2 s6, s13  }
0x109: {  	[tilespmem:s25+$0xFFFFFFF0] =	vst v5;
	s7 =	smul.u32 @!p2 $0xA00, s0  }
0x10a: {  	[tilespmem:s25+$0x0] =	vst v6;
	s0 =	smul.u32 @!p2 $0x500, s0  }
0x10b: {  	s9 =	simm.s32 @!p2 $0x0;
	[tilespmem:s25+$0x10] =	vst v7;
	s7 =	sshrl.u32 @!p2 s7, $0x3  }
0x10c: {  	s14 =	simm.s32 @!p2 $0x18700;
	[tilespmem:s25+$0x20] =	vst v2;
	s0 =	sshrl.u32 @!p2 s0, $0x3;
	s7 =	sadd.s32 @!p2 s1, s7  }
0x10d: {  	[tilespmem:s14], [sflag:$0x1] =	stream.linear.gather @!p2 [hbm4b:s7+s9], $0xA00, $0x38;
	[tilespmem:$0x1EB00] =	vst v63  }
0x10e: {  	s0 =	sadd.s32 @!p2 s2, s0;
	s7 =	simm.s32 @!p2 $0x1B400  }
0x10f: {  	[tilespmem:s7], [sflag:$0x1] =	stream.linear.gather @!p2 [hbm4b:s0+s9], $0x500, $0x38;
	[tilespmem:$0x1EB00] =	vst v63  }
0x110: {  	_ = 	snop  }
0x111: {  	[spmem:s4] =	stream.indirect.scatter.add.f32 [tilespmem:s19], [sflag:$0x4], $0x1, s22, s21, $0xb8;
	[tilespmem:$0x1EB00] =	vst v63  }
0x112: {  	_ =	swait.ge [sflag:s26], $0xA00  }
0x113: {  	[sflag:s26] =	ssyncset.done $0x0  }
0x114: {  	[sflag:s26] =	ssyncadd.s32 $0xFFFFF600  }
0x115: {  	_ =	swait.ge [sflag:s26], $0x500  }
0x116: {  	[sflag:s26] =	ssyncset.done $0x0  }
0x117: {  	s0 =	simm.s32 @!p1 $0x5;
	[sflag:s26] =	ssyncadd.s32 $0xFFFFFB00  }
0x118: {  	_ =	swait.ge @!p1 [sflag:s0], $0x500  }
0x119: {  	[sflag:s0] =	ssyncset.done @!p1 $0x0  }
0x11a: {  	[sflag:s0] =	ssyncadd.s32 @!p1 $0xFFFFFB00;
	s0 =	simm.s32 $0x19180  }
0x11b: {  	v1 =	vld [tilespmem:s0+$0xFFFFFFF0]  }
0x11c: {  	v2 =	vld [tilespmem:s0+$0xFFFFFF90]  }
0x11d: {  	v3 =	vld [tilespmem:s0+$0xFFFFFFA0]  }
0x11e: {  	v4 =	vld [tilespmem:s0+$0xFFFFFFB0]  }
0x11f: {  	v5 =	vld [tilespmem:s0+$0xFFFFFFC0]  }
0x120: {  	v6 =	vld [tilespmem:s0+$0xFFFFFFD0]  }
0x121: {  	v7 =	vld [tilespmem:s0+$0xFFFFFFE0]  }
0x122: {  	s14 =	simm.s32 $0x1B940;
	v8 =	vld [tilespmem:s0+$0xFFFFFF80]  }
0x123: {  	v9 =	vld [tilespmem:s14+$0x30]  }
0x124: {  	v10 =	vld [tilespmem:s14+$0xFFFFFFC0]  }
0x125: {  	v11 =	vld [tilespmem:s14+$0xFFFFFFD0]  }
0x126: {  	v12 =	vld [tilespmem:s14+$0xFFFFFFE0]  }
0x127: {  	v54 =	vld [tilespmem:s14+$0xFFFFFFF0]  }
0x128: {  	v13 =	vld [tilespmem:s14+$0x0]  }
0x129: {  	s25 =	simm.s32 $0x1B9C0;
	v56 =	vld [tilespmem:s14+$0x20]  }
0x12a: {  	v18 =	vld [tilespmem:s25+$0x30]  }
0x12b: {  	v61 =	vld [tilespmem:s25+$0x0]  }
0x12c: {  	v62 =	vld [tilespmem:s25+$0x10]  }
0x12d: {  	v1 =	vld.idx.msk [tilespmem:v1+s5+$0x0], $0xffff  }
0x12e: {  	v2 =	vld.idx.msk [tilespmem:v2+s5+$0x0], $0xffff  }
0x12f: {  	v3 =	vld.idx.msk [tilespmem:v3+s5+$0x0], $0xffff  }
0x130: {  	v8 =	vld.idx.msk [tilespmem:v8+s5+$0x0], $0xffff  }
0x131: {  	v4 =	vld.idx.msk [tilespmem:v4+s5+$0x0], $0xffff  }
0x132: {  	v5 =	vld.idx.msk [tilespmem:v5+s5+$0x0], $0xffff  }
0x133: {  	v6 =	vld.idx.msk [tilespmem:v6+s5+$0x0], $0xffff;
	v1 =	vmul.f32 v9, v1  }
0x134: {  	s23 =	simm.s32 $0x1C840;
	v7 =	vld.idx.msk [tilespmem:v7+s5+$0x0], $0xffff;
	v2 =	vmul.f32 v11, v2  }
0x135: {  	[tilespmem:s23+$0x30] =	vst v1;
	v1 =	vmul.f32 v10, v8;
	v8 =	vld [tilespmem:s14+$0x10]  }
0x136: {  	[tilespmem:s23+$0xFFFFFFD0] =	vst v2;
	v55 =	vld [tilespmem:s0+$0x70]  }
0x137: {  	v2 =	vmul.f32 v54, v4;
	s14 =	simm.s32 $0x19280;
	v4 =	vld [tilespmem:s0+$0x10]  }
0x138: {  	v57 =	vld [tilespmem:s14+$0xFFFFFF90]  }
0x139: {  	v58 =	vld [tilespmem:s14+$0xFFFFFFA0]  }
0x13a: {  	v59 =	vld [tilespmem:s14+$0xFFFFFFB0]  }
0x13b: {  	v14 =	vld [tilespmem:s14+$0xFFFFFFC0]  }
0x13c: {  	v15 =	vld [tilespmem:s14+$0xFFFFFFD0]  }
0x13d: {  	[tilespmem:s23+$0xFFFFFFF0] =	vst v2;
	v2 =	vmul.f32 v8, v6;
	v8 =	vld [tilespmem:s14+$0xFFFFFFF0]  }
0x13e: {  	v16 =	vld [tilespmem:s14+$0xFFFFFFE0];
	[tilespmem:s23+$0xFFFFFFC0] =	vst v1;
	v1 =	vmul.f32 v12, v3  }
0x13f: {  	v17 =	vld [tilespmem:s14+$0xFFFFFF80]  }
0x140: {  	v3 =	vld [tilespmem:s0+$0x0];
	[tilespmem:s23+$0xFFFFFFE0] =	vst v1;
	v1 =	vmul.f32 v13, v5  }
0x141: {  	v5 =	vld [tilespmem:s0+$0x20]  }
0x142: {  	s24 =	simm.s32 $0x1AA40;
	v6 =	vld [tilespmem:s0+$0x30];
	[tilespmem:s23+$0x0] =	vst v1  }
0x143: {  	[tilespmem:s24+$0xFFFFFFD0] =	vst v4;
	v4 =	vld [tilespmem:s25+$0xFFFFFFD0]  }
0x144: {  	v1 =	vld [tilespmem:s0+$0x40]  }
0x145: {  	[tilespmem:s23+$0x10] =	vst v2;
	v8 =	vld.idx.msk [tilespmem:v8+s5+$0x0], $0xffff  }
0x146: {  	v2 =	vld [tilespmem:s0+$0x50]  }
0x147: {  	[tilespmem:s24+$0xFFFFFFC0] =	vst v3;
	v3 =	vld [tilespmem:s25+$0xFFFFFFC0]  }
0x148: {  	v9 =	vld.idx.msk [tilespmem:v57+s5+$0x0], $0xffff  }
0x149: {  	v7 =	vmul.f32 v56, v7;
	v12 =	vld.idx.msk [tilespmem:v58+s5+$0x0], $0xffff  }
0x14a: {  	v13 =	vld.idx.msk [tilespmem:v59+s5+$0x0], $0xffff;
	v8 =	vmul.f32 v18, v8  }
0x14b: {  	s7 =	simm.s32 $0x1C8C0;
	[tilespmem:s23+$0x20] =	vst v7;
	v14 =	vld.idx.msk [tilespmem:v14+s5+$0x0], $0xffff  }
0x14c: {  	v60 =	vld.idx.msk [tilespmem:v17+s5+$0x0], $0xffff;
	[tilespmem:s7+$0x30] =	vst v8  }
0x14d: {  	[tilespmem:s24+$0x30] =	vst v55;
	v7 =	vld [tilespmem:s14+$0x70]  }
0x14e: {  	[tilespmem:s24+$0xFFFFFFE0] =	vst v5;
	v5 =	vld [tilespmem:s25+$0xFFFFFFE0]  }
0x14f: {  	[tilespmem:s24+$0xFFFFFFF0] =	vst v6;
	v6 =	vld [tilespmem:s25+$0xFFFFFFF0]  }
0x150: {  	v15 =	vld.idx.msk [tilespmem:v15+s5+$0x0], $0xffff;
	[tilespmem:s24+$0x0] =	vst v1  }
0x151: {  	s9 =	simm.s32 $0x1AAC0;
	[tilespmem:s24+$0x10] =	vst v2;
	v1 =	vmul.f32 v3, v60;
	v8 =	vld.idx.msk [tilespmem:v16+s5+$0x0], $0xffff  }
0x152: {  	v3 =	vmul.f32 v4, v9;
	[tilespmem:s9+$0x30] =	vst v7;
	v7 =	vld [tilespmem:s25+$0x20]  }
0x153: {  	v4 =	vmul.f32 v5, v12;
	[tilespmem:s7+$0xFFFFFFC0] =	vst v1;
	v1 =	vld [tilespmem:s0+$0x60]  }
0x154: {  	v5 =	vmul.f32 v6, v13;
	[tilespmem:s7+$0xFFFFFFD0] =	vst v3;
	v2 =	vld [tilespmem:s14+$0x0]  }
0x155: {  	v6 =	vmul.f32 v61, v14;
	v3 =	vld [tilespmem:s14+$0x10];
	[tilespmem:s7+$0xFFFFFFE0] =	vst v4  }
0x156: {  	v63 =	vmul.f32 v62, v15;
	[tilespmem:s7+$0xFFFFFFF0] =	vst v5;
	v4 =	vld [tilespmem:s14+$0x20]  }
0x157: {  	[tilespmem:s7+$0x0] =	vst v6;
	v5 =	vld [tilespmem:s14+$0x30];
	v8 =	vmul.f32 v7, v8  }
0x158: {  	[tilespmem:s7+$0x10] =	vst v63;
	v6 =	vld [tilespmem:s14+$0x40]  }
0x159: {  	s23 =	simm.s32 $0x80;
	s0 =	simm.s32 $0x19380;
	v7 =	vld [tilespmem:s14+$0x50];
	[tilespmem:s7+$0x20] =	vst v8  }
.LBB2_7:
0x15a: {  	v8 =	vld [tilespmem:s0+$0xFFFFFFF0];
	s23 =	sadd.s32 $0x80, s23;
	[tilespmem:s9+$0xFFFFFFC0] =	vst v2  }
0x15b: {  	v2 =	vld [tilespmem:s0+$0xFFFFFF90];
	p3 =	slt.u32 s23, $0x480;
	[tilespmem:s9+$0xFFFFFFD0] =	vst v3  }
0x15c: {  	v3 =	vld [tilespmem:s0+$0xFFFFFFA0];
	[tilespmem:s9+$0xFFFFFFE0] =	vst v4  }
0x15d: {  	v4 =	vld [tilespmem:s0+$0xFFFFFFB0];
	[tilespmem:s9+$0xFFFFFFF0] =	vst v5  }
0x15e: {  	v5 =	vld [tilespmem:s0+$0xFFFFFFC0];
	[tilespmem:s9+$0x0] =	vst v6  }
0x15f: {  	v6 =	vld [tilespmem:s0+$0xFFFFFFD0];
	[tilespmem:s9+$0x10] =	vst v7  }
0x160: {  	v7 =	vld [tilespmem:s0+$0xFFFFFFE0];
	[tilespmem:s24+$0x20] =	vst v1;
	s24 =	smov.u32 s9  }
0x161: {  	v1 =	vld [tilespmem:s0+$0xFFFFFF80]  }
0x162: {  	s25 =	sadd.s32 $0x80, s25;
	v8 =	vld.idx.msk [tilespmem:v8+s5+$0x0], $0xffff  }
0x163: {  	v9 =	vld [tilespmem:s25+$0x30]  }
0x164: {  	v2 =	vld.idx.msk [tilespmem:v2+s5+$0x0], $0xffff  }
0x165: {  	v3 =	vld.idx.msk [tilespmem:v3+s5+$0x0], $0xffff  }
0x166: {  	v4 =	vld.idx.msk [tilespmem:v4+s5+$0x0], $0xffff  }
0x167: {  	v5 =	vld.idx.msk [tilespmem:v5+s5+$0x0], $0xffff  }
0x168: {  	v6 =	vld.idx.msk [tilespmem:v6+s5+$0x0], $0xffff;
	v8 =	vmul.f32 v9, v8  }
0x169: {  	s7 =	sadd.s32 $0x80, s7;
	v1 =	vld.idx.msk [tilespmem:v1+s5+$0x0], $0xffff  }
0x16a: {  	v7 =	vld.idx.msk [tilespmem:v7+s5+$0x0], $0xffff;
	[tilespmem:s7+$0x30] =	vst v8  }
0x16b: {  	v8 =	vld [tilespmem:s0+$0x70]  }
0x16c: {  	v9 =	vld [tilespmem:s25+$0xFFFFFFC0]  }
0x16d: {  	v10 =	vld [tilespmem:s25+$0xFFFFFFD0]  }
0x16e: {  	v11 =	vld [tilespmem:s25+$0xFFFFFFE0]  }
0x16f: {  	s9 =	sadd.s32 $0x80, s9;
	v12 =	vld [tilespmem:s25+$0xFFFFFFF0]  }
0x170: {  	v13 =	vld [tilespmem:s25+$0x0];
	[tilespmem:s9+$0x30] =	vst v8  }
0x171: {  	v1 =	vmul.f32 v9, v1;
	v8 =	vld [tilespmem:s25+$0x10]  }
0x172: {  	v9 =	vmul.f32 v10, v2;
	v10 =	vld [tilespmem:s25+$0x20]  }
0x173: {  	[tilespmem:s7+$0xFFFFFFC0] =	vst v1;
	v11 =	vmul.f32 v11, v3;
	v1 =	vld [tilespmem:s14+$0x60];
	s14 =	smov.u32 s0  }
0x174: {  	v2 =	vld [tilespmem:s0+$0x0];
	[tilespmem:s7+$0xFFFFFFD0] =	vst v9;
	v9 =	vmul.f32 v12, v4  }
.Ltmp4:
0x175: {  	v3 =	vld [tilespmem:s0+$0x10];
	[tilespmem:s7+$0xFFFFFFE0] =	vst v11;
	v11 =	vmul.f32 v13, v5;
	(pc) =	sbr.rel @p3 .LBB2_7-.Ltmp4, $4  }
0x176: {  	v4 =	vld [tilespmem:s0+$0x20];
	[tilespmem:s7+$0xFFFFFFF0] =	vst v9;
	v8 =	vmul.f32 v8, v6  }
0x177: {  	v5 =	vld [tilespmem:s0+$0x30];
	[tilespmem:s7+$0x0] =	vst v11;
	v9 =	vmul.f32 v10, v7  }
0x178: {  	v6 =	vld [tilespmem:s0+$0x40];
	[tilespmem:s7+$0x10] =	vst v8  }
0x179: {  	s0 =	sadd.s32 $0x100, s0;
	v7 =	vld [tilespmem:s14+$0x50];
	[tilespmem:s7+$0x20] =	vst v9  }
0x17a: {  	[tilespmem:s9+$0xFFFFFFC0] =	vst v2  }
0x17b: {  	[tilespmem:s9+$0xFFFFFFD0] =	vst v3  }
0x17c: {  	v2 =	vld [tilespmem:s14+$0x60];
	[tilespmem:s24+$0x20] =	vst v1  }
0x17d: {  	s0 =	sadd.s32 @!p2 s13, s10;
	[tilespmem:s9+$0xFFFFFFE0] =	vst v4  }
0x17e: {  	s7 =	smul.u32 @!p2 $0xA00, s0;
	[tilespmem:s9+$0xFFFFFFF0] =	vst v5  }
0x17f: {  	s0 =	smul.u32 @!p2 $0x500, s0;
	[tilespmem:s9+$0x0] =	vst v6  }
0x180: {  	s13 =	simm.s32 @!p2 $0x19100;
	s7 =	sshrl.u32 @!p2 s7, $0x3;
	[tilespmem:s9+$0x10] =	vst v7  }
0x181: {  	s0 =	sshrl.u32 @!p2 s0, $0x3;
	s7 =	sadd.s32 @!p2 s1, s7;
	[tilespmem:s9+$0x20] =	vst v2;
	s9 =	simm.s32 @!p2 $0x0  }
0x182: {  	[tilespmem:s13], [sflag:$0x2] =	stream.linear.gather @!p2 [hbm4b:s7+s9], $0xA00, $0x38;
	[tilespmem:$0x1EB00] =	vst v63  }
0x183: {  	s0 =	sadd.s32 @!p2 s2, s0;
	s7 =	simm.s32 @!p2 $0x1B900  }
0x184: {  	[tilespmem:s7], [sflag:$0x2] =	stream.linear.gather @!p2 [hbm4b:s0+s9], $0x500, $0x38;
	[tilespmem:$0x1EB00] =	vst v63  }
0x185: {  	_ = 	snop  }
0x186: {  	[spmem:s4] =	stream.indirect.scatter.add.f32 [tilespmem:s29], [sflag:$0x5], $0x1, s28, s21, $0xb8;
	[tilespmem:$0x1EB00] =	vst v63  }
0x187: {  	_ =	swait.ge [sflag:s3], $0xA00  }
0x188: {  	[sflag:s3] =	ssyncset.done $0x0  }
0x189: {  	[sflag:s3] =	ssyncadd.s32 $0xFFFFF600  }
0x18a: {  	_ =	swait.ge [sflag:s3], $0x500  }
0x18b: {  	[sflag:s3] =	ssyncset.done $0x0  }
0x18c: {  	s0 =	simm.s32 @!p1 $0x6;
	[sflag:s3] =	ssyncadd.s32 $0xFFFFFB00  }
0x18d: {  	_ =	swait.ge @!p1 [sflag:s0], $0x500  }
0x18e: {  	[sflag:s0] =	ssyncset.done @!p1 $0x0  }
0x18f: {  	s23 =	simm.s32 $0x19B80;
	[sflag:s0] =	ssyncadd.s32 @!p1 $0xFFFFFB00  }
0x190: {  	v1 =	vld [tilespmem:s23+$0xFFFFFFF0]  }
0x191: {  	v2 =	vld [tilespmem:s23+$0xFFFFFF90]  }
0x192: {  	v3 =	vld [tilespmem:s23+$0xFFFFFFA0]  }
0x193: {  	v4 =	vld [tilespmem:s23+$0xFFFFFFB0]  }
0x194: {  	v5 =	vld [tilespmem:s23+$0xFFFFFFC0]  }
0x195: {  	v6 =	vld [tilespmem:s23+$0xFFFFFFD0]  }
0x196: {  	v7 =	vld [tilespmem:s23+$0xFFFFFFE0]  }
0x197: {  	s24 =	simm.s32 $0x1BE40;
	v8 =	vld [tilespmem:s23+$0xFFFFFF80]  }
0x198: {  	v9 =	vld [tilespmem:s24+$0x30]  }
0x199: {  	v10 =	vld [tilespmem:s24+$0xFFFFFFC0]  }
0x19a: {  	v11 =	vld [tilespmem:s24+$0xFFFFFFD0]  }
0x19b: {  	v12 =	vld [tilespmem:s24+$0xFFFFFFE0]  }
0x19c: {  	v54 =	vld [tilespmem:s24+$0xFFFFFFF0]  }
0x19d: {  	v13 =	vld [tilespmem:s24+$0x0]  }
0x19e: {  	s13 =	simm.s32 $0x19C80;
	v56 =	vld [tilespmem:s24+$0x20]  }
0x19f: {  	v57 =	vld [tilespmem:s13+$0xFFFFFF90]  }
0x1a0: {  	v58 =	vld [tilespmem:s13+$0xFFFFFFA0]  }
0x1a1: {  	v59 =	vld [tilespmem:s13+$0xFFFFFFB0]  }
0x1a2: {  	v14 =	vld [tilespmem:s13+$0xFFFFFFC0]  }
0x1a3: {  	v15 =	vld [tilespmem:s13+$0xFFFFFFD0]  }
0x1a4: {  	v16 =	vld [tilespmem:s13+$0xFFFFFFE0]  }
0x1a5: {  	v17 =	vld [tilespmem:s13+$0xFFFFFF80]  }
0x1a6: {  	v1 =	vld.idx.msk [tilespmem:v1+s5+$0x0], $0xffff  }
0x1a7: {  	v2 =	vld.idx.msk [tilespmem:v2+s5+$0x0], $0xffff  }
0x1a8: {  	v8 =	vld.idx.msk [tilespmem:v8+s5+$0x0], $0xffff  }
0x1a9: {  	v3 =	vld.idx.msk [tilespmem:v3+s5+$0x0], $0xffff  }
0x1aa: {  	v4 =	vld.idx.msk [tilespmem:v4+s5+$0x0], $0xffff  }
0x1ab: {  	v5 =	vld.idx.msk [tilespmem:v5+s5+$0x0], $0xffff;
	v1 =	vmul.f32 v9, v1  }
0x1ac: {  	s25 =	simm.s32 $0x1CD40;
	v6 =	vld.idx.msk [tilespmem:v6+s5+$0x0], $0xffff  }
0x1ad: {  	[tilespmem:s25+$0x30] =	vst v1;
	v1 =	vmul.f32 v10, v8;
	v8 =	vld [tilespmem:s24+$0x10]  }
0x1ae: {  	v7 =	vld.idx.msk [tilespmem:v7+s5+$0x0], $0xffff;
	v2 =	vmul.f32 v11, v2  }
0x1af: {  	v14 =	vld.idx.msk [tilespmem:v14+s5+$0x0], $0xffff  }
0x1b0: {  	v15 =	vld.idx.msk [tilespmem:v15+s5+$0x0], $0xffff;
	[tilespmem:s25+$0xFFFFFFD0] =	vst v2;
	v2 =	vmul.f32 v54, v4  }
0x1b1: {  	v60 =	vld.idx.msk [tilespmem:v17+s5+$0x0], $0xffff  }
0x1b2: {  	[tilespmem:s25+$0xFFFFFFF0] =	vst v2;
	v2 =	vmul.f32 v8, v6;
	v8 =	vld [tilespmem:s13+$0xFFFFFFF0]  }
0x1b3: {  	v9 =	vld.idx.msk [tilespmem:v57+s5+$0x0], $0xffff  }
0x1b4: {  	v55 =	vld [tilespmem:s23+$0x70]  }
0x1b5: {  	s24 =	simm.s32 $0x1BEC0;
	v4 =	vld [tilespmem:s23+$0x10]  }
0x1b6: {  	v18 =	vld [tilespmem:s24+$0x30]  }
0x1b7: {  	v61 =	vld [tilespmem:s24+$0x0]  }
0x1b8: {  	[tilespmem:s25+$0xFFFFFFC0] =	vst v1;
	v1 =	vmul.f32 v12, v3;
	v12 =	vld.idx.msk [tilespmem:v58+s5+$0x0], $0xffff  }
0x1b9: {  	v3 =	vld [tilespmem:s23+$0x0]  }
0x1ba: {  	v7 =	vmul.f32 v56, v7;
	v8 =	vld.idx.msk [tilespmem:v8+s5+$0x0], $0xffff  }
0x1bb: {  	[tilespmem:s25+$0xFFFFFFE0] =	vst v1;
	v1 =	vmul.f32 v13, v5;
	v13 =	vld.idx.msk [tilespmem:v59+s5+$0x0], $0xffff  }
0x1bc: {  	[tilespmem:s25+$0x20] =	vst v7;
	v5 =	vld [tilespmem:s23+$0x20]  }
0x1bd: {  	s14 =	simm.s32 $0x1AF40;
	v6 =	vld [tilespmem:s23+$0x30];
	[tilespmem:s25+$0x0] =	vst v1  }
0x1be: {  	[tilespmem:s14+$0xFFFFFFD0] =	vst v4;
	v4 =	vld [tilespmem:s24+$0xFFFFFFD0]  }
0x1bf: {  	v1 =	vld [tilespmem:s23+$0x40];
	[tilespmem:s25+$0x10] =	vst v2;
	v8 =	vmul.f32 v18, v8  }
0x1c0: {  	s7 =	simm.s32 $0x1CDC0;
	v2 =	vld [tilespmem:s23+$0x50];
	[tilespmem:s14+$0xFFFFFFC0] =	vst v3  }
0x1c1: {  	v3 =	vld [tilespmem:s24+$0xFFFFFFC0];
	[tilespmem:s7+$0x30] =	vst v8  }
0x1c2: {  	[tilespmem:s14+$0x30] =	vst v55;
	v7 =	vld [tilespmem:s13+$0x70]  }
0x1c3: {  	[tilespmem:s14+$0xFFFFFFE0] =	vst v5;
	v5 =	vld [tilespmem:s24+$0xFFFFFFE0]  }
0x1c4: {  	[tilespmem:s14+$0xFFFFFFF0] =	vst v6;
	v6 =	vld [tilespmem:s24+$0xFFFFFFF0]  }
0x1c5: {  	v62 =	vld [tilespmem:s24+$0x10];
	[tilespmem:s14+$0x0] =	vst v1  }
0x1c6: {  	s9 =	simm.s32 $0x1AFC0;
	[tilespmem:s14+$0x10] =	vst v2;
	v1 =	vmul.f32 v3, v60;
	v8 =	vld.idx.msk [tilespmem:v16+s5+$0x0], $0xffff  }
0x1c7: {  	v3 =	vmul.f32 v4, v9;
	[tilespmem:s9+$0x30] =	vst v7;
	v7 =	vld [tilespmem:s24+$0x20]  }
0x1c8: {  	[tilespmem:s7+$0xFFFFFFC0] =	vst v1;
	v4 =	vmul.f32 v5, v12;
	v1 =	vld [tilespmem:s23+$0x60]  }
0x1c9: {  	[tilespmem:s7+$0xFFFFFFD0] =	vst v3;
	v5 =	vmul.f32 v6, v13;
	v2 =	vld [tilespmem:s13+$0x0]  }
0x1ca: {  	v6 =	vmul.f32 v61, v14;
	v3 =	vld [tilespmem:s13+$0x10];
	[tilespmem:s7+$0xFFFFFFE0] =	vst v4  }
0x1cb: {  	v63 =	vmul.f32 v62, v15;
	[tilespmem:s7+$0xFFFFFFF0] =	vst v5;
	v4 =	vld [tilespmem:s13+$0x20]  }
0x1cc: {  	[tilespmem:s7+$0x0] =	vst v6;
	v5 =	vld [tilespmem:s13+$0x30];
	v8 =	vmul.f32 v7, v8  }
0x1cd: {  	[tilespmem:s7+$0x10] =	vst v63;
	v6 =	vld [tilespmem:s13+$0x40]  }
0x1ce: {  	s0 =	simm.s32 $0x19D80;
	s23 =	simm.s32 $0x80;
	v7 =	vld [tilespmem:s13+$0x50];
	[tilespmem:s7+$0x20] =	vst v8  }
.LBB2_9:
0x1cf: {  	v8 =	vld [tilespmem:s0+$0xFFFFFFF0];
	s23 =	sadd.s32 $0x80, s23;
	[tilespmem:s9+$0xFFFFFFC0] =	vst v2  }
0x1d0: {  	v2 =	vld [tilespmem:s0+$0xFFFFFF90];
	p1 =	slt.u32 s23, $0x480;
	[tilespmem:s9+$0xFFFFFFD0] =	vst v3  }
0x1d1: {  	v3 =	vld [tilespmem:s0+$0xFFFFFFA0];
	[tilespmem:s9+$0xFFFFFFE0] =	vst v4  }
0x1d2: {  	v4 =	vld [tilespmem:s0+$0xFFFFFFB0];
	[tilespmem:s9+$0xFFFFFFF0] =	vst v5  }
0x1d3: {  	v5 =	vld [tilespmem:s0+$0xFFFFFFC0];
	[tilespmem:s9+$0x0] =	vst v6  }
0x1d4: {  	v6 =	vld [tilespmem:s0+$0xFFFFFFD0];
	[tilespmem:s9+$0x10] =	vst v7  }
0x1d5: {  	v7 =	vld [tilespmem:s0+$0xFFFFFFE0];
	[tilespmem:s14+$0x20] =	vst v1;
	s14 =	smov.u32 s9  }
0x1d6: {  	v1 =	vld [tilespmem:s0+$0xFFFFFF80]  }
0x1d7: {  	s24 =	sadd.s32 $0x80, s24;
	v8 =	vld.idx.msk [tilespmem:v8+s5+$0x0], $0xffff  }
0x1d8: {  	v9 =	vld [tilespmem:s24+$0x30]  }
0x1d9: {  	v2 =	vld.idx.msk [tilespmem:v2+s5+$0x0], $0xffff  }
0x1da: {  	v3 =	vld.idx.msk [tilespmem:v3+s5+$0x0], $0xffff  }
0x1db: {  	v4 =	vld.idx.msk [tilespmem:v4+s5+$0x0], $0xffff  }
0x1dc: {  	v5 =	vld.idx.msk [tilespmem:v5+s5+$0x0], $0xffff  }
0x1dd: {  	v6 =	vld.idx.msk [tilespmem:v6+s5+$0x0], $0xffff;
	v8 =	vmul.f32 v9, v8  }
0x1de: {  	s7 =	sadd.s32 $0x80, s7;
	v1 =	vld.idx.msk [tilespmem:v1+s5+$0x0], $0xffff  }
0x1df: {  	v7 =	vld.idx.msk [tilespmem:v7+s5+$0x0], $0xffff;
	[tilespmem:s7+$0x30] =	vst v8  }
0x1e0: {  	v8 =	vld [tilespmem:s0+$0x70]  }
0x1e1: {  	v9 =	vld [tilespmem:s24+$0xFFFFFFC0]  }
0x1e2: {  	v10 =	vld [tilespmem:s24+$0xFFFFFFD0]  }
0x1e3: {  	v11 =	vld [tilespmem:s24+$0xFFFFFFE0]  }
0x1e4: {  	s9 =	sadd.s32 $0x80, s9;
	v12 =	vld [tilespmem:s24+$0xFFFFFFF0]  }
0x1e5: {  	v13 =	vld [tilespmem:s24+$0x0];
	[tilespmem:s9+$0x30] =	vst v8  }
0x1e6: {  	v1 =	vmul.f32 v9, v1;
	v8 =	vld [tilespmem:s24+$0x10]  }
0x1e7: {  	v9 =	vmul.f32 v10, v2;
	v10 =	vld [tilespmem:s24+$0x20]  }
0x1e8: {  	[tilespmem:s7+$0xFFFFFFC0] =	vst v1;
	v11 =	vmul.f32 v11, v3;
	v1 =	vld [tilespmem:s13+$0x60];
	s13 =	smov.u32 s0  }
0x1e9: {  	v2 =	vld [tilespmem:s0+$0x0];
	[tilespmem:s7+$0xFFFFFFD0] =	vst v9;
	v9 =	vmul.f32 v12, v4  }
.Ltmp5:
0x1ea: {  	v3 =	vld [tilespmem:s0+$0x10];
	[tilespmem:s7+$0xFFFFFFE0] =	vst v11;
	v11 =	vmul.f32 v13, v5;
	(pc) =	sbr.rel @p1 .LBB2_9-.Ltmp5, $4  }
0x1eb: {  	v4 =	vld [tilespmem:s0+$0x20];
	[tilespmem:s7+$0xFFFFFFF0] =	vst v9;
	v8 =	vmul.f32 v8, v6  }
0x1ec: {  	v5 =	vld [tilespmem:s0+$0x30];
	[tilespmem:s7+$0x0] =	vst v11;
	v9 =	vmul.f32 v10, v7  }
0x1ed: {  	v6 =	vld [tilespmem:s0+$0x40];
	[tilespmem:s7+$0x10] =	vst v8  }
0x1ee: {  	s0 =	sadd.s32 $0x100, s0;
	v7 =	vld [tilespmem:s13+$0x50];
	[tilespmem:s7+$0x20] =	vst v9  }
0x1ef: {  	[tilespmem:s9+$0xFFFFFFC0] =	vst v2  }
0x1f0: {  	[tilespmem:s9+$0xFFFFFFD0] =	vst v3  }
0x1f1: {  	v2 =	vld [tilespmem:s13+$0x60];
	[tilespmem:s14+$0x20] =	vst v1;
	p1 =	sne.s32 s11, $0x33  }
.Ltmp6:
0x1f2: {  	[tilespmem:s9+$0xFFFFFFE0] =	vst v4;
	(pc) =	sbr.rel @!p1 .LBB2_11-.Ltmp6, $4  }
0x1f3: {  	[tilespmem:s9+$0xFFFFFFF0] =	vst v5  }
0x1f4: {  	[tilespmem:s9+$0x0] =	vst v6  }
0x1f5: {  	[tilespmem:s9+$0x10] =	vst v7  }
0x1f6: {  	[tilespmem:s9+$0x20] =	vst v2  }
0x1f7: {  	s0 =	smul.u32 $0x60, s15;
	_ =	sdelay $0x1  }
0x1f8: {  	s0 =	sadd.s32 s0, s12  }
0x1f9: {  	s7 =	smul.u32 $0xA00, s0;
	_ =	sdelay $0x1  }
0x1fa: {  	s7 =	sshrl.u32 s7, $0x3  }
0x1fb: {  	p1 =	sne.s32 s15, $0x34;
	s0 =	smul.u32 $0x500, s0;
	s7 =	sadd.s32 s1, s7  }
0x1fc: {  	[tilespmem:s16], [sflag:$0x3] =	stream.linear.gather [hbm4b:s7+s5], $0xA00, $0x38;
	[tilespmem:$0x1EB00] =	vst v63  }
.Ltmp7:
0x1fd: {  	s0 =	sshrl.u32 s0, $0x3;
	(pc) =	sbr.rel @p1 .LBB2_4-.Ltmp7, $4  }
.Ltmp8:
0x1fe: {  	s0 =	sadd.s32 s2, s0;
	(pc) =	sbr.rel @!p1 .LBB2_13-.Ltmp8, $4  }
0x1ff: {  	[tilespmem:s17], [sflag:$0x3] =	stream.linear.gather [hbm4b:s0+s5], $0x500, $0x38;
	[tilespmem:$0x1EB00] =	vst v63  }
0x200: {  	s11 =	smov.u32 s15  }
0x201: {  	[spmem:s4] =	stream.indirect.scatter.add.f32 [tilespmem:s31], [sflag:$0x6], $0x1, s30, s21, $0xb8;
	[tilespmem:$0x1EB00] =	vst v63  }
0x202: {  	_ = 	snop  }
.LBB2_11:
0x203: {  	[spmem:s4] =	stream.indirect.scatter.add.f32 [tilespmem:s31], [sflag:$0x6], $0x1, s30, s21, $0xb8;
	[tilespmem:$0x1EB00] =	vst v63  }
.LBB2_13:
0x204: {  	s0 =	simm.s32 $0x4  }
0x205: {  	_ =	swait.ge [sflag:s0], $0x500  }
0x206: {  	[sflag:s0] =	ssyncset.done $0x0  }
0x207: {  	s24 =	simm.s32 $0x5;
	[sflag:s0] =	ssyncadd.s32 $0xFFFFFB00  }
0x208: {  	_ =	swait.ge [sflag:s24], $0x500  }
.Ltmp9:
0x209: {  	[sflag:s24] =	ssyncset.done $0x0;
	(pc) =	sbr.rel @p0 .LBB2_17-.Ltmp9, $4  }
0x20a: {  	s25 =	simm.s32 $0x6;
	[sflag:s24] =	ssyncadd.s32 $0xFFFFFB00  }
0x20b: {  	_ =	swait.ge [sflag:s25], $0x500  }
0x20c: {  	[sflag:s25] =	ssyncset.done $0x0  }
0x20d: {  	[sflag:s25] =	ssyncadd.s32 $0xFFFFFB00  }
0x20e: {  	s0 =	rddreg [dreg:$0x17];
	s7 =	simm.s32 $0x18700  }
0x20f: {  	[tilespmem:s7], [sflag:$0x1] =	stream.linear.gather [hbm4b:s0+s5], $0xA00, $0x38;
	[tilespmem:$0x1EB00] =	vst v63  }
0x210: {  	s15 =	rddreg [dreg:$0x18];
	s23 =	simm.s32 $0x1B400  }
0x211: {  	[tilespmem:s23], [sflag:$0x1] =	stream.linear.gather [hbm4b:s15+s5], $0x500, $0x38;
	[tilespmem:$0x1EB00] =	vst v63  }
0x212: {  	_ =	swait.ge [sflag:s20], $0xA00  }
0x213: {  	[sflag:s20] =	ssyncset.done $0x0  }
0x214: {  	[sflag:s20] =	ssyncadd.s32 $0xFFFFF600  }
0x215: {  	_ =	swait.ge [sflag:s20], $0x500  }
0x216: {  	[sflag:s20] =	ssyncset.done $0x0  }
0x217: {  	s24 =	simm.s32 $0x18780;
	[sflag:s20] =	ssyncadd.s32 $0xFFFFFB00  }
0x218: {  	v1 =	vld [tilespmem:s24+$0xFFFFFFF0]  }
0x219: {  	v2 =	vld [tilespmem:s24+$0xFFFFFF90]  }
0x21a: {  	v3 =	vld [tilespmem:s24+$0xFFFFFFA0]  }
0x21b: {  	v4 =	vld [tilespmem:s24+$0xFFFFFFB0]  }
0x21c: {  	v5 =	vld [tilespmem:s24+$0xFFFFFFC0]  }
0x21d: {  	v6 =	vld [tilespmem:s24+$0xFFFFFFD0]  }
0x21e: {  	v7 =	vld [tilespmem:s24+$0xFFFFFFE0]  }
0x21f: {  	s25 =	simm.s32 $0x1B440;
	v8 =	vld [tilespmem:s24+$0xFFFFFF80]  }
0x220: {  	v9 =	vld [tilespmem:s25+$0x30]  }
0x221: {  	v10 =	vld [tilespmem:s25+$0xFFFFFFC0]  }
0x222: {  	v11 =	vld [tilespmem:s25+$0xFFFFFFD0]  }
0x223: {  	v12 =	vld [tilespmem:s25+$0xFFFFFFE0]  }
0x224: {  	v54 =	vld [tilespmem:s25+$0xFFFFFFF0]  }
0x225: {  	v13 =	vld [tilespmem:s25+$0x0]  }
0x226: {  	s11 =	simm.s32 $0x18880;
	v56 =	vld [tilespmem:s25+$0x20]  }
0x227: {  	v57 =	vld [tilespmem:s11+$0xFFFFFF90]  }
0x228: {  	v58 =	vld [tilespmem:s11+$0xFFFFFFA0]  }
0x229: {  	v59 =	vld [tilespmem:s11+$0xFFFFFFB0]  }
0x22a: {  	v14 =	vld [tilespmem:s11+$0xFFFFFFC0]  }
0x22b: {  	v15 =	vld [tilespmem:s11+$0xFFFFFFD0]  }
0x22c: {  	v16 =	vld [tilespmem:s11+$0xFFFFFFE0]  }
0x22d: {  	v17 =	vld [tilespmem:s11+$0xFFFFFF80]  }
0x22e: {  	s14 =	simm.s32 $0x1B4C0;
	v1 =	vld.idx.msk [tilespmem:v1+s5+$0x0], $0xffff  }
0x22f: {  	v18 =	vld [tilespmem:s14+$0x30]  }
0x230: {  	v8 =	vld.idx.msk [tilespmem:v8+s5+$0x0], $0xffff  }
0x231: {  	v2 =	vld.idx.msk [tilespmem:v2+s5+$0x0], $0xffff  }
0x232: {  	v61 =	vld [tilespmem:s14+$0x0]  }
0x233: {  	v4 =	vld.idx.msk [tilespmem:v4+s5+$0x0], $0xffff;
	v1 =	vmul.f32 v9, v1  }
0x234: {  	s9 =	simm.s32 $0x1C340;
	v6 =	vld.idx.msk [tilespmem:v6+s5+$0x0], $0xffff  }
0x235: {  	[tilespmem:s9+$0x30] =	vst v1;
	v1 =	vmul.f32 v10, v8;
	v8 =	vld [tilespmem:s25+$0x10]  }
0x236: {  	v62 =	vld [tilespmem:s14+$0x10];
	v2 =	vmul.f32 v11, v2  }
0x237: {  	v3 =	vld.idx.msk [tilespmem:v3+s5+$0x0], $0xffff  }
0x238: {  	v5 =	vld.idx.msk [tilespmem:v5+s5+$0x0], $0xffff;
	[tilespmem:s9+$0xFFFFFFD0] =	vst v2;
	v2 =	vmul.f32 v54, v4  }
0x239: {  	v7 =	vld.idx.msk [tilespmem:v7+s5+$0x0], $0xffff  }
0x23a: {  	[tilespmem:s9+$0xFFFFFFF0] =	vst v2;
	v2 =	vmul.f32 v8, v6;
	v8 =	vld [tilespmem:s11+$0xFFFFFFF0]  }
0x23b: {  	v14 =	vld.idx.msk [tilespmem:v14+s5+$0x0], $0xffff  }
0x23c: {  	v15 =	vld.idx.msk [tilespmem:v15+s5+$0x0], $0xffff  }
0x23d: {  	v60 =	vld.idx.msk [tilespmem:v17+s5+$0x0], $0xffff  }
0x23e: {  	v9 =	vld.idx.msk [tilespmem:v57+s5+$0x0], $0xffff  }
0x23f: {  	v4 =	vld [tilespmem:s24+$0x10]  }
0x240: {  	[tilespmem:s9+$0xFFFFFFC0] =	vst v1;
	v1 =	vmul.f32 v12, v3;
	v12 =	vld.idx.msk [tilespmem:v58+s5+$0x0], $0xffff  }
0x241: {  	v3 =	vld [tilespmem:s24+$0x0]  }
0x242: {  	v7 =	vmul.f32 v56, v7;
	v8 =	vld.idx.msk [tilespmem:v8+s5+$0x0], $0xffff  }
0x243: {  	[tilespmem:s9+$0xFFFFFFE0] =	vst v1;
	v1 =	vmul.f32 v13, v5;
	v13 =	vld.idx.msk [tilespmem:v59+s5+$0x0], $0xffff  }
0x244: {  	[tilespmem:s9+$0x20] =	vst v7;
	v5 =	vld [tilespmem:s24+$0x20]  }
0x245: {  	s13 =	simm.s32 $0x1A540;
	v6 =	vld [tilespmem:s24+$0x30];
	[tilespmem:s9+$0x0] =	vst v1  }
0x246: {  	[tilespmem:s13+$0xFFFFFFD0] =	vst v4;
	v4 =	vld [tilespmem:s14+$0xFFFFFFD0]  }
0x247: {  	v1 =	vld [tilespmem:s24+$0x40];
	[tilespmem:s9+$0x10] =	vst v2;
	v8 =	vmul.f32 v18, v8  }
0x248: {  	s7 =	simm.s32 $0x1C3C0;
	v63 =	vmul.f32 v62, v15;
	v2 =	vld [tilespmem:s24+$0x50];
	[tilespmem:s13+$0xFFFFFFC0] =	vst v3  }
0x249: {  	v3 =	vld [tilespmem:s14+$0xFFFFFFC0];
	[tilespmem:s7+$0x30] =	vst v8  }
0x24a: {  	[tilespmem:s7+$0x10] =	vst v63;
	v7 =	vld [tilespmem:s11+$0x70]  }
0x24b: {  	[tilespmem:s13+$0xFFFFFFE0] =	vst v5;
	v5 =	vld [tilespmem:s14+$0xFFFFFFE0]  }
0x24c: {  	[tilespmem:s13+$0xFFFFFFF0] =	vst v6;
	v6 =	vld [tilespmem:s14+$0xFFFFFFF0]  }
0x24d: {  	v55 =	vld [tilespmem:s24+$0x70];
	[tilespmem:s13+$0x0] =	vst v1  }
0x24e: {  	s9 =	simm.s32 $0x1A5C0;
	[tilespmem:s13+$0x10] =	vst v2;
	v1 =	vmul.f32 v3, v60;
	v8 =	vld.idx.msk [tilespmem:v16+s5+$0x0], $0xffff  }
0x24f: {  	v3 =	vmul.f32 v4, v9;
	[tilespmem:s9+$0x30] =	vst v7;
	v7 =	vld [tilespmem:s14+$0x20]  }
0x250: {  	[tilespmem:s7+$0xFFFFFFC0] =	vst v1;
	v4 =	vmul.f32 v5, v12;
	v1 =	vld [tilespmem:s24+$0x60]  }
0x251: {  	[tilespmem:s7+$0xFFFFFFD0] =	vst v3;
	v5 =	vmul.f32 v6, v13;
	v2 =	vld [tilespmem:s11+$0x0]  }
0x252: {  	v6 =	vmul.f32 v61, v14;
	v3 =	vld [tilespmem:s11+$0x10];
	[tilespmem:s7+$0xFFFFFFE0] =	vst v4  }
0x253: {  	[tilespmem:s7+$0xFFFFFFF0] =	vst v5;
	v4 =	vld [tilespmem:s11+$0x20]  }
0x254: {  	[tilespmem:s7+$0x0] =	vst v6;
	v5 =	vld [tilespmem:s11+$0x30];
	v8 =	vmul.f32 v7, v8  }
0x255: {  	[tilespmem:s13+$0x30] =	vst v55;
	v6 =	vld [tilespmem:s11+$0x40]  }
0x256: {  	s0 =	simm.s32 $0x18980;
	s15 =	simm.s32 $0x80;
	v7 =	vld [tilespmem:s11+$0x50];
	[tilespmem:s7+$0x20] =	vst v8  }
.LBB2_15:
0x257: {  	v8 =	vld [tilespmem:s0+$0xFFFFFFF0];
	s15 =	sadd.s32 $0x80, s15;
	[tilespmem:s9+$0xFFFFFFC0] =	vst v2  }
0x258: {  	v2 =	vld [tilespmem:s0+$0xFFFFFF90];
	p1 =	slt.u32 s15, $0x480;
	[tilespmem:s9+$0xFFFFFFD0] =	vst v3  }
0x259: {  	v3 =	vld [tilespmem:s0+$0xFFFFFFA0];
	[tilespmem:s9+$0xFFFFFFE0] =	vst v4  }
0x25a: {  	v4 =	vld [tilespmem:s0+$0xFFFFFFB0];
	[tilespmem:s9+$0xFFFFFFF0] =	vst v5  }
0x25b: {  	v5 =	vld [tilespmem:s0+$0xFFFFFFC0];
	[tilespmem:s9+$0x0] =	vst v6  }
0x25c: {  	v6 =	vld [tilespmem:s0+$0xFFFFFFD0];
	[tilespmem:s9+$0x10] =	vst v7  }
0x25d: {  	v7 =	vld [tilespmem:s0+$0xFFFFFFE0];
	[tilespmem:s13+$0x20] =	vst v1;
	s13 =	smov.u32 s9  }
0x25e: {  	v1 =	vld [tilespmem:s0+$0xFFFFFF80]  }
0x25f: {  	s14 =	sadd.s32 $0x80, s14;
	v8 =	vld.idx.msk [tilespmem:v8+s5+$0x0], $0xffff  }
0x260: {  	v9 =	vld [tilespmem:s14+$0x30]  }
0x261: {  	v2 =	vld.idx.msk [tilespmem:v2+s5+$0x0], $0xffff  }
0x262: {  	v3 =	vld.idx.msk [tilespmem:v3+s5+$0x0], $0xffff  }
0x263: {  	v4 =	vld.idx.msk [tilespmem:v4+s5+$0x0], $0xffff  }
0x264: {  	v5 =	vld.idx.msk [tilespmem:v5+s5+$0x0], $0xffff  }
0x265: {  	v6 =	vld.idx.msk [tilespmem:v6+s5+$0x0], $0xffff;
	v8 =	vmul.f32 v9, v8  }
0x266: {  	s7 =	sadd.s32 $0x80, s7;
	v1 =	vld.idx.msk [tilespmem:v1+s5+$0x0], $0xffff  }
0x267: {  	v7 =	vld.idx.msk [tilespmem:v7+s5+$0x0], $0xffff;
	[tilespmem:s7+$0x30] =	vst v8  }
0x268: {  	v8 =	vld [tilespmem:s0+$0x70]  }
0x269: {  	v9 =	vld [tilespmem:s14+$0xFFFFFFC0]  }
0x26a: {  	v10 =	vld [tilespmem:s14+$0xFFFFFFD0]  }
0x26b: {  	v11 =	vld [tilespmem:s14+$0xFFFFFFE0]  }
0x26c: {  	s9 =	sadd.s32 $0x80, s9;
	v12 =	vld [tilespmem:s14+$0xFFFFFFF0]  }
0x26d: {  	v13 =	vld [tilespmem:s14+$0x0];
	[tilespmem:s9+$0x30] =	vst v8  }
0x26e: {  	v1 =	vmul.f32 v9, v1;
	v8 =	vld [tilespmem:s14+$0x10]  }
0x26f: {  	v9 =	vmul.f32 v10, v2;
	v10 =	vld [tilespmem:s14+$0x20]  }
0x270: {  	[tilespmem:s7+$0xFFFFFFC0] =	vst v1;
	v11 =	vmul.f32 v11, v3;
	v1 =	vld [tilespmem:s11+$0x60];
	s11 =	smov.u32 s0  }
0x271: {  	v2 =	vld [tilespmem:s0+$0x0];
	[tilespmem:s7+$0xFFFFFFD0] =	vst v9;
	v9 =	vmul.f32 v12, v4  }
.Ltmp10:
0x272: {  	v3 =	vld [tilespmem:s0+$0x10];
	[tilespmem:s7+$0xFFFFFFE0] =	vst v11;
	v11 =	vmul.f32 v13, v5;
	(pc) =	sbr.rel @p1 .LBB2_15-.Ltmp10, $4  }
0x273: {  	v4 =	vld [tilespmem:s0+$0x20];
	[tilespmem:s7+$0xFFFFFFF0] =	vst v9;
	v8 =	vmul.f32 v8, v6  }
0x274: {  	v5 =	vld [tilespmem:s0+$0x30];
	[tilespmem:s7+$0x0] =	vst v11;
	v9 =	vmul.f32 v10, v7  }
0x275: {  	v6 =	vld [tilespmem:s0+$0x40];
	[tilespmem:s7+$0x10] =	vst v8  }
0x276: {  	s0 =	sadd.s32 $0x100, s0;
	v7 =	vld [tilespmem:s11+$0x50];
	[tilespmem:s7+$0x20] =	vst v9  }
0x277: {  	[tilespmem:s9+$0xFFFFFFC0] =	vst v2  }
0x278: {  	[tilespmem:s9+$0xFFFFFFD0] =	vst v3  }
0x279: {  	v2 =	vld [tilespmem:s11+$0x60];
	[tilespmem:s13+$0x20] =	vst v1  }
0x27a: {  	[tilespmem:s9+$0xFFFFFFE0] =	vst v4  }
0x27b: {  	[tilespmem:s9+$0xFFFFFFF0] =	vst v5  }
0x27c: {  	[tilespmem:s9+$0x0] =	vst v6  }
0x27d: {  	[tilespmem:s9+$0x10] =	vst v7  }
.Ltmp11:
0x27e: {  	s0 =	simm.s32 $0x4;
	[tilespmem:s9+$0x20] =	vst v2;
	(pc) =	sbr.rel .LBB2_17-.Ltmp11, $4  }
0x27f: {  	[spmem:s4] =	stream.indirect.scatter.add.f32 [tilespmem:s19], [sflag:$0x4], $0x1, s22, s21, $0xb8;
	[tilespmem:$0x1EB00] =	vst v63  }
0x280: {  	_ =	swait.ge [sflag:s0], $0x500  }
0x281: {  	[sflag:s0] =	ssyncset.done $0x0  }
0x282: {  	[sflag:s0] =	ssyncadd.s32 $0xFFFFFB00  }
.LBB2_18:
0x283: {  	_ =	sfence.sel $0x180000  }
0x284: {  	[bflag:$0x0] =	sbarrier.arrive $0xFFFF  }
0x285: {  	_ =	strace $0x90000047  }
0x286: {  	s0 =	stileid.u32;
	[bflag:$0x2] =	sbarrier.arrive $0xFFFF  }
0x287: {  	p0 =	sne.s32 s0, $0x0;
	s0 =	rddreg [dreg:$0x5]  }
0x288: {  	s0 =	sadd.s32 @!p0 $0x100000, s0  }
0x289: {  	[sflag:s0] =	ssyncadd.tile.s32 @!p0 $0x1;
	_ =	shalt  }
.Lfunc_end2:
_tile_overlayer_lowered:
.L_overlay_start_2:
0x28a: {  	(tag) =	ssettag $0x2  }
0x28b: {  	s0 =	rddreg [dreg:$0x0];
	s2 =	stileid.u32  }
0x28c: {  	s1 =	rddreg [dreg:$0x1];
	p0 =	sne.s32 s2, $0x0  }
0x28d: {  	s3 =	rddreg [dreg:$0x2];
	[bflag:$0x3] =	sbarrier.arrive $0xFFFF;
	s2 =	simm.s32 @!p0 $0x1C07  }
0x28e: {  	[timem:s3], [sflag:s2] =	dma.local @!p0 [hbm:s0], s1  }
0x28f: {  	s0 =	simm.s32 @!p0 $0x7  }
0x290: {  	_ =	swait.ge @!p0 [sflag:s0], s1  }
0x291: {  	s1 =	ssub.s32 @!p0 $0x0, s1;
	[sflag:s0] =	ssyncset.done @!p0 $0x0  }
0x292: {  	[sflag:s0] =	ssyncadd.s32 @!p0 s1  }
0x293: {  	[bflag:$0x3] =	sbarrier.arrive $0xFFFF  }
0x294: {  	_ =	shalt  }

</sc_bundles>
